<compile_context>
chip_gen: v7x
topology: tpu7x:2x2x1
jax: 0.10.2.dev20260603
libtpu: 0.0.44.dev20260713+nightly
codegen_flags: <defaults>
</compile_context>

<pallas_src>
import functools

import jax
import jax.numpy as jnp
from jax import lax
from jax.experimental import pallas as pl
from jax.experimental.pallas import tpu as pltpu
from jax.experimental.pallas import tpu_sc as plsc

_POS_MIN = 0.7
_B, _C, _H, _W = 8, 1, 384, 384
_TOTAL = _B * _C * _H * _W
_ROWS = _B * _C * _H
_NC, _NS, _L = 2, 16, 16
_NW = _NC * _NS
_SC_ROWS = 1024
_ROWS_PER_W = _SC_ROWS // _NW
_CHR = 16
_NCHUNK = _ROWS_PER_W // _CHR
_CSTEPS = _W // _L
_TC_BLK = 256
_TC_STEPS = (_ROWS - _SC_ROWS) // _TC_BLK
_TC_OFF = _SC_ROWS // _TC_BLK


def _sc_partials(gr, pr, ga, pa, cm):
    mesh = plsc.VectorSubcoreMesh(core_axis_name="c", subcore_axis_name="s")

    @functools.partial(
        pl.kernel,
        out_type=jax.ShapeDtypeStruct((_NW, 6, _L), jnp.float32),
        mesh=mesh,
        compiler_params=pltpu.CompilerParams(use_tc_tiling_on_sc=True),
        scratch_types=[pltpu.VMEM((2, _CHR, _W), jnp.float32) for _ in range(5)]
        + [
            pltpu.VMEM((6, _L), jnp.float32),
            pltpu.SemaphoreType.DMA,
            pltpu.SemaphoreType.DMA,
        ],
    )
    def k(gr_h, pr_h, ga_h, pa_h, cm_h, out_h, bgr, bpr, bga, bpa, bcm,
          obuf, sem0, sem1):
        cid = lax.axis_index("c")
        sid = lax.axis_index("s")
        wid = cid * _NS + sid
        row0 = wid * _ROWS_PER_W
        hbm = (gr_h, pr_h, ga_h, pa_h, cm_h)
        bufs = (bgr, bpr, bga, bpa, bcm)
        sems = (sem0, sem1)

        def issue(c, slot):
            r0 = row0 + c * _CHR
            cps = []
            for h, bv in zip(hbm, bufs):
                cp = pltpu.make_async_copy(
                    h.at[pl.ds(r0, _CHR), :], bv.at[slot], sems[slot]
                )
                cp.start()
                cps.append(cp)
            return cps

        def compute(slot, accs):
            def row_body(r, a):
                def col_body(cstep, a2):
                    tsr, psr, pcr, tsa, psa, pca = a2
                    s = pl.ds(cstep * _L, _L)
                    g = bgr[slot, r, s]
                    p = bpr[slot, r, s]
                    h = bga[slot, r, s]
                    q = bpa[slot, r, s]
                    w = bcm[slot, r, s]
                    zero = jnp.zeros((_L,), jnp.float32)
                    one = jnp.full((_L,), 1.0, jnp.float32)
                    dr = g - p
                    lr = dr * dr * w
                    mr = g > _POS_MIN
                    da = h - q
                    la = da * da * w
                    ma = h > _POS_MIN
                    return (
                        tsr + lr,
                        psr + jnp.where(mr, lr, zero),
                        pcr + jnp.where(mr, one, zero),
                        tsa + la,
                        psa + jnp.where(ma, la, zero),
                        pca + jnp.where(ma, one, zero),
                    )

                return lax.fori_loop(0, _CSTEPS, col_body, a)

            return lax.fori_loop(0, _CHR, row_body, accs)

        z = jnp.zeros((_L,), jnp.float32)
        accs = (z, z, z, z, z, z)
        inflight = issue(0, 0)
        for c in range(_NCHUNK):
            slot = c % 2
            nxt = None
            if c + 1 < _NCHUNK:
                nxt = issue(c + 1, 1 - slot)
            for cp in inflight:
                cp.wait()
            accs = compute(slot, accs)
            inflight = nxt
        for j in range(6):
            obuf[j, :] = accs[j]
        pltpu.sync_copy(obuf, out_h.at[wid])

    return k(gr, pr, ga, pa, cm)


def _tc_partials(gr, pr, ga, pa, cm):

    def kern(g_ref, p_ref, h_ref, q_ref, w_ref, out_ref):
        i = pl.program_id(0)

        @pl.when(i == 0)
        def _():
            for j in range(8):
                out_ref[j] = jnp.float32(0.0)

        g = g_ref[...]
        p = p_ref[...]
        h = h_ref[...]
        q = q_ref[...]
        w = w_ref[...]
        dr = g - p
        lr = dr * dr * w
        mr = g > _POS_MIN
        da = h - q
        la = da * da * w
        ma = h > _POS_MIN
        out_ref[0] += jnp.sum(lr)
        out_ref[1] += jnp.sum(jnp.where(mr, lr, 0.0))
        out_ref[2] += jnp.sum(mr.astype(jnp.float32))
        out_ref[3] += jnp.sum(la)
        out_ref[4] += jnp.sum(jnp.where(ma, la, 0.0))
        out_ref[5] += jnp.sum(ma.astype(jnp.float32))

    bs = pl.BlockSpec((_TC_BLK, _W), lambda i: (i + _TC_OFF, 0))
    return pl.pallas_call(
        kern,
        grid=(_TC_STEPS,),
        out_shape=jax.ShapeDtypeStruct((8,), jnp.float32),
        in_specs=[bs] * 5,
        out_specs=pl.BlockSpec(memory_space=pltpu.SMEM),
    )(gr, pr, ga, pa, cm)


_RROWS = 9


def _hard_topk_sum(gt, pred, conf, kf):
    r3 = lambda a: jnp.reshape(a, (_RROWS, 128, 1024))
    gt3, pred3, conf3 = r3(gt), r3(pred), r3(conf)

    def kern(kf_ref, g_ref, p_ref, c_ref, out_ref, neg_ref):
        for j in range(_RROWS):
            g = g_ref[j]
            d = g - p_ref[j]
            l = d * d * c_ref[j]
            neg_ref[j] = jnp.where(g > _POS_MIN, 0.0, l)
        kf_ = kf_ref[0]

        def cnt_ge(t):
            def b(j, acc):
                return acc + jnp.sum((neg_ref[j] >= t).astype(jnp.float32))

            return lax.fori_loop(0, _RROWS, b, jnp.float32(0.0))

        def bs(_, lohi):
            lo, hi = lohi
            mid = (lo + hi) // 2
            t = lax.bitcast_convert_type(mid, jnp.float32)
            ok = cnt_ge(t) >= kf_
            return (jnp.where(ok, mid, lo), jnp.where(ok, hi, mid))

        lo, _ = lax.fori_loop(
            0, 31, bs, (jnp.int32(0), jnp.int32(0x3F800001))
        )
        t = lax.bitcast_convert_type(lo, jnp.float32)

        def b2(j, acc):
            s, c = acc
            v = neg_ref[j]
            m = v > t
            return (
                s + jnp.sum(jnp.where(m, v, 0.0)),
                c + jnp.sum(m.astype(jnp.float32)),
            )

        s, c = lax.fori_loop(0, _RROWS, b2, (jnp.float32(0.0), jnp.float32(0.0)))
        out_ref[0] = jnp.where(kf_ > 0.0, s + (kf_ - c) * t, 0.0)

    res = pl.pallas_call(
        kern,
        out_shape=jax.ShapeDtypeStruct((1,), jnp.float32),
        in_specs=[
            pl.BlockSpec(memory_space=pltpu.SMEM),
            pl.BlockSpec(memory_space=pltpu.VMEM),
            pl.BlockSpec(memory_space=pltpu.VMEM),
            pl.BlockSpec(memory_space=pltpu.VMEM),
        ],
        out_specs=pl.BlockSpec(memory_space=pltpu.SMEM),
        scratch_shapes=[pltpu.VMEM((_RROWS, 128, 1024), jnp.float32)],
    )(jnp.reshape(kf, (1,)), gt3, pred3, conf3)
    return res[0]


def _one_loss_any(ts, ps, pc, gt, pred, conf):
    total_f = jnp.float32(_TOTAL)

    def easy(_):
        return ts / total_f

    def hard(_):
        kf = 3.0 * pc
        topk = _hard_topk_sum(gt, pred, conf, kf)
        return (topk + ps) / (4.0 * pc)

    return lax.cond(4.0 * pc >= total_f, easy, hard, operand=None)


def kernel(gt_region, pred_region, gt_affinity, pred_affinity, conf_map):
    r2 = lambda a: jnp.reshape(a, (_ROWS, _W))
    gr, pr, ga, pa, cm = (
        r2(gt_region),
        r2(pred_region),
        r2(gt_affinity),
        r2(pred_affinity),
        r2(conf_map),
    )
    sc = _sc_partials(gr, pr, ga, pa, cm)
    tc = _tc_partials(gr, pr, ga, pa, cm)
    s = jnp.sum(sc, axis=(0, 2)) + tc[:6]
    total_f = jnp.float32(_TOTAL)
    both_easy = jnp.logical_and(
        4.0 * s[2] >= total_f, 4.0 * s[5] >= total_f
    )

    def easy(_):
        return (s[0] + s[3]) / total_f

    def hard(_):
        res_r = _one_loss_any(s[0], s[1], s[2], gr, pr, cm)
        res_a = _one_loss_any(s[3], s[4], s[5], ga, pa, cm)
        return res_r + res_a

    return lax.cond(both_easy, easy, hard, operand=None)

# --- scband reference (transcript-rebuilt; emitter-appended) ---
"""Pipeline reference for scband-loss-ohem-10402410791783 (READ-ONLY COPY).

The authoritative reference and input builder live on the scoring server;
editing this copy changes nothing except your own understanding.
"""

import jax, jax.numpy as jnp
import numpy as np

NEG_RATIO = 3.0
POS_MIN = 0.7
SHAPE = (8, 1, 384, 384)


def setup_inputs(seed: int = 0) -> dict:
    key = jax.random.key(seed)
    k1, k2, k3, k4, k5 = jax.random.split(key, 5)
    gt_region = jax.random.uniform(k1, SHAPE, dtype=jnp.float32)
    pred_region = jax.random.uniform(k2, SHAPE, dtype=jnp.float32)
    gt_affinity = jax.random.uniform(k3, SHAPE, dtype=jnp.float32)
    pred_affinity = jax.random.uniform(k4, SHAPE, dtype=jnp.float32)
    conf_map = jax.random.uniform(k5, SHAPE, dtype=jnp.float32)
    return {
        "gt_region": gt_region,
        "pred_region": pred_region,
        "gt_affinity": gt_affinity,
        "pred_affinity": pred_affinity,
        "conf_map": conf_map,
    }


def _get_loss(gt, pred, conf_map, neg_ratio, pos_min):
    b, c, h, w = gt.shape
    total = b * c * h * w
    gt_pos_area = (gt > pos_min).astype(jnp.float32).reshape(-1)
    gt_pos_num = gt_pos_area.sum()
    gt_neg_num = jnp.minimum(jnp.float32(total) - gt_pos_num, neg_ratio * gt_pos_num)
    loss = ((gt - pred) ** 2 * conf_map).reshape(-1)
    pos_loss = loss * gt_pos_area
    neg_loss = loss * (1.0 - gt_pos_area)
    k = gt_neg_num.astype(jnp.int32)
    value, _ = jax.lax.top_k(neg_loss, total)
    mask = (jnp.arange(total) < k).astype(jnp.float32)
    ohem_loss = (value * mask).sum() + pos_loss.sum()
    return ohem_loss / (gt_neg_num + gt_pos_num)


def reference(gt_region, pred_region, gt_affinity, pred_affinity, conf_map):
    region_loss = _get_loss(gt_region, pred_region, conf_map, NEG_RATIO, POS_MIN)
    affinity_loss = _get_loss(gt_affinity, pred_affinity, conf_map, NEG_RATIO, POS_MIN)
    return region_loss + affinity_loss

if __name__ == "__main__":
    import jax
    _d = setup_inputs()
    print(jax.jit(kernel)(*tuple(_d.values())))

</pallas_src>

<mosaic_0001>
#map = affine_map<(d0, d1) -> (0, 0)>
#map1 = affine_map<(d0, d1) -> (0, 0, 0)>
module attributes {stable_mosaic.version = 14 : i64} {
  func.func @k(%arg0: i32, %arg1: i32, %arg2: memref<3072x384xf32, #tpu.memory_space<hbm>>, %arg3: memref<3072x384xf32, #tpu.memory_space<hbm>>, %arg4: memref<3072x384xf32, #tpu.memory_space<hbm>>, %arg5: memref<3072x384xf32, #tpu.memory_space<hbm>>, %arg6: memref<3072x384xf32, #tpu.memory_space<hbm>>, %arg7: memref<32x6x16xf32, #tpu.memory_space<hbm>>, %arg8: memref<2x16x384xf32, #tpu.memory_space<vmem>>, %arg9: memref<2x16x384xf32, #tpu.memory_space<vmem>>, %arg10: memref<2x16x384xf32, #tpu.memory_space<vmem>>, %arg11: memref<2x16x384xf32, #tpu.memory_space<vmem>>, %arg12: memref<2x16x384xf32, #tpu.memory_space<vmem>>, %arg13: memref<6x16xf32, #tpu.memory_space<vmem>>, %arg14: memref<!tpu.dma_semaphore, #tpu.memory_space<semaphore_mem>>, %arg15: memref<!tpu.dma_semaphore, #tpu.memory_space<semaphore_mem>>) attributes {dimension_semantics = [#tpu.dimension_semantics<core_parallel>, #tpu.dimension_semantics<subcore_parallel>], iteration_bounds = array<i64: 2, 16>, scalar_prefetch = 0 : i64, scratch_operands = 8 : i64, tpu.core_type = #tpu.core_type<sc_vector_subcore>, window_params = [{transform_indices = #map}, {transform_indices = #map}, {transform_indices = #map}, {transform_indices = #map}, {transform_indices = #map}, {transform_indices = #map1}]} {
    %mul3A = arith.constant 16 : i32
    %mul3A_0 = arith.muli %arg0, %mul3A : i32
    %add3A = arith.addi %mul3A_0, %arg1 : i32
    %mul3A_1 = arith.constant 32 : i32
    %mul3A_2 = arith.muli %add3A, %mul3A_1 : i32
    %broadcast_in_dim3A = arith.constant 0.000000e+00 : f32
    %broadcast_in_dim3A_3 = vector.broadcast %broadcast_in_dim3A : f32 to vector<16xf32>
    %add3A_4 = arith.constant 0 : i32
    %add3A_5 = arith.addi %mul3A_2, %add3A_4 : i32
    %dma_start3A = arith.constant 0 : i32
    %dma_start3A_6 = arith.constant 0 : i32
    %dma_start3A_7 = arith.constant 0 : i32
    %dma_start3A_8 = tpu.memref_slice %arg8[%dma_start3A, %dma_start3A_6, %dma_start3A_7] : memref<2x16x384xf32, #tpu.memory_space<vmem>> -> memref<1x16x384xf32, #tpu.memory_space<vmem>>
    %dma_start3A_9 = tpu.memref_squeeze %dma_start3A_8 : memref<1x16x384xf32, #tpu.memory_space<vmem>> -> memref<16x384xf32, #tpu.memory_space<vmem>>
    %dma_start3A_10 = arith.constant 0 : i32
    %dma_start3A_11 = tpu.memref_slice %arg2[%add3A_5, %dma_start3A_10] : memref<3072x384xf32, #tpu.memory_space<hbm>> -> memref<16x384xf32, #tpu.memory_space<hbm>>
    %dma_start3A_12 = arith.constant 0 : i32
    %dma_start3A_13 = arith.constant 0 : i32
    %dma_start3A_14 = tpu.memref_slice %arg8[%dma_start3A, %dma_start3A_12, %dma_start3A_13] : memref<2x16x384xf32, #tpu.memory_space<vmem>> -> memref<1x16x384xf32, #tpu.memory_space<vmem>>
    %dma_start3A_15 = tpu.memref_squeeze %dma_start3A_14 : memref<1x16x384xf32, #tpu.memory_space<vmem>> -> memref<16x384xf32, #tpu.memory_space<vmem>>
    %dma_start3A_16 = arith.constant 0 : i32
    %dma_start3A_17 = tpu.memref_slice %arg2[%add3A_5, %dma_start3A_16] : memref<3072x384xf32, #tpu.memory_space<hbm>> -> memref<16x384xf32, #tpu.memory_space<hbm>>
    tpu.enqueue_dma source(%dma_start3A_17 : memref<16x384xf32, #tpu.memory_space<hbm>>) target(%dma_start3A_15 : memref<16x384xf32, #tpu.memory_space<vmem>>) target_semaphore(%arg14 : memref<!tpu.dma_semaphore, #tpu.memory_space<semaphore_mem>>)
    %dma_start3A_18 = arith.constant 0 : i32
    %dma_start3A_19 = arith.constant 0 : i32
    %dma_start3A_20 = arith.constant 0 : i32
    %dma_start3A_21 = tpu.memref_slice %arg9[%dma_start3A_18, %dma_start3A_19, %dma_start3A_20] : memref<2x16x384xf32, #tpu.memory_space<vmem>> -> memref<1x16x384xf32, #tpu.memory_space<vmem>>
    %dma_start3A_22 = tpu.memref_squeeze %dma_start3A_21 : memref<1x16x384xf32, #tpu.memory_space<vmem>> -> memref<16x384xf32, #tpu.memory_space<vmem>>
    %dma_start3A_23 = arith.constant 0 : i32
    %dma_start3A_24 = tpu.memref_slice %arg3[%add3A_5, %dma_start3A_23] : memref<3072x384xf32, #tpu.memory_space<hbm>> -> memref<16x384xf32, #tpu.memory_space<hbm>>
    %dma_start3A_25 = arith.constant 0 : i32
    %dma_start3A_26 = arith.constant 0 : i32
    %dma_start3A_27 = tpu.memref_slice %arg9[%dma_start3A_18, %dma_start3A_25, %dma_start3A_26] : memref<2x16x384xf32, #tpu.memory_space<vmem>> -> memref<1x16x384xf32, #tpu.memory_space<vmem>>
    %dma_start3A_28 = tpu.memref_squeeze %dma_start3A_27 : memref<1x16x384xf32, #tpu.memory_space<vmem>> -> memref<16x384xf32, #tpu.memory_space<vmem>>
    %dma_start3A_29 = arith.constant 0 : i32
    %dma_start3A_30 = tpu.memref_slice %arg3[%add3A_5, %dma_start3A_29] : memref<3072x384xf32, #tpu.memory_space<hbm>> -> memref<16x384xf32, #tpu.memory_space<hbm>>
    tpu.enqueue_dma source(%dma_start3A_30 : memref<16x384xf32, #tpu.memory_space<hbm>>) target(%dma_start3A_28 : memref<16x384xf32, #tpu.memory_space<vmem>>) target_semaphore(%arg14 : memref<!tpu.dma_semaphore, #tpu.memory_space<semaphore_mem>>)
    %dma_start3A_31 = arith.constant 0 : i32
    %dma_start3A_32 = arith.constant 0 : i32
    %dma_start3A_33 = arith.constant 0 : i32
    %dma_start3A_34 = tpu.memref_slice %arg10[%dma_start3A_31, %dma_start3A_32, %dma_start3A_33] : memref<2x16x384xf32, #tpu.memory_space<vmem>> -> memref<1x16x384xf32, #tpu.memory_space<vmem>>
    %dma_start3A_35 = tpu.memref_squeeze %dma_start3A_34 : memref<1x16x384xf32, #tpu.memory_space<vmem>> -> memref<16x384xf32, #tpu.memory_space<vmem>>
    %dma_start3A_36 = arith.constant 0 : i32
    %dma_start3A_37 = tpu.memref_slice %arg4[%add3A_5, %dma_start3A_36] : memref<3072x384xf32, #tpu.memory_space<hbm>> -> memref<16x384xf32, #tpu.memory_space<hbm>>
    %dma_start3A_38 = arith.constant 0 : i32
    %dma_start3A_39 = arith.constant 0 : i32
    %dma_start3A_40 = tpu.memref_slice %arg10[%dma_start3A_31, %dma_start3A_38, %dma_start3A_39] : memref<2x16x384xf32, #tpu.memory_space<vmem>> -> memref<1x16x384xf32, #tpu.memory_space<vmem>>
    %dma_start3A_41 = tpu.memref_squeeze %dma_start3A_40 : memref<1x16x384xf32, #tpu.memory_space<vmem>> -> memref<16x384xf32, #tpu.memory_space<vmem>>
    %dma_start3A_42 = arith.constant 0 : i32
    %dma_start3A_43 = tpu.memref_slice %arg4[%add3A_5, %dma_start3A_42] : memref<3072x384xf32, #tpu.memory_space<hbm>> -> memref<16x384xf32, #tpu.memory_space<hbm>>
    tpu.enqueue_dma source(%dma_start3A_43 : memref<16x384xf32, #tpu.memory_space<hbm>>) target(%dma_start3A_41 : memref<16x384xf32, #tpu.memory_space<vmem>>) target_semaphore(%arg14 : memref<!tpu.dma_semaphore, #tpu.memory_space<semaphore_mem>>)
    %dma_start3A_44 = arith.constant 0 : i32
    %dma_start3A_45 = arith.constant 0 : i32
    %dma_start3A_46 = arith.constant 0 : i32
    %dma_start3A_47 = tpu.memref_slice %arg11[%dma_start3A_44, %dma_start3A_45, %dma_start3A_46] : memref<2x16x384xf32, #tpu.memory_space<vmem>> -> memref<1x16x384xf32, #tpu.memory_space<vmem>>
    %dma_start3A_48 = tpu.memref_squeeze %dma_start3A_47 : memref<1x16x384xf32, #tpu.memory_space<vmem>> -> memref<16x384xf32, #tpu.memory_space<vmem>>
    %dma_start3A_49 = arith.constant 0 : i32
    %dma_start3A_50 = tpu.memref_slice %arg5[%add3A_5, %dma_start3A_49] : memref<3072x384xf32, #tpu.memory_space<hbm>> -> memref<16x384xf32, #tpu.memory_space<hbm>>
    %dma_start3A_51 = arith.constant 0 : i32
    %dma_start3A_52 = arith.constant 0 : i32
    %dma_start3A_53 = tpu.memref_slice %arg11[%dma_start3A_44, %dma_start3A_51, %dma_start3A_52] : memref<2x16x384xf32, #tpu.memory_space<vmem>> -> memref<1x16x384xf32, #tpu.memory_space<vmem>>
    %dma_start3A_54 = tpu.memref_squeeze %dma_start3A_53 : memref<1x16x384xf32, #tpu.memory_space<vmem>> -> memref<16x384xf32, #tpu.memory_space<vmem>>
    %dma_start3A_55 = arith.constant 0 : i32
    %dma_start3A_56 = tpu.memref_slice %arg5[%add3A_5, %dma_start3A_55] : memref<3072x384xf32, #tpu.memory_space<hbm>> -> memref<16x384xf32, #tpu.memory_space<hbm>>
    tpu.enqueue_dma source(%dma_start3A_56 : memref<16x384xf32, #tpu.memory_space<hbm>>) target(%dma_start3A_54 : memref<16x384xf32, #tpu.memory_space<vmem>>) target_semaphore(%arg14 : memref<!tpu.dma_semaphore, #tpu.memory_space<semaphore_mem>>)
    %dma_start3A_57 = arith.constant 0 : i32
    %dma_start3A_58 = arith.constant 0 : i32
    %dma_start3A_59 = arith.constant 0 : i32
    %dma_start3A_60 = tpu.memref_slice %arg12[%dma_start3A_57, %dma_start3A_58, %dma_start3A_59] : memref<2x16x384xf32, #tpu.memory_space<vmem>> -> memref<1x16x384xf32, #tpu.memory_space<vmem>>
    %dma_start3A_61 = tpu.memref_squeeze %dma_start3A_60 : memref<1x16x384xf32, #tpu.memory_space<vmem>> -> memref<16x384xf32, #tpu.memory_space<vmem>>
    %dma_start3A_62 = arith.constant 0 : i32
    %dma_start3A_63 = tpu.memref_slice %arg6[%add3A_5, %dma_start3A_62] : memref<3072x384xf32, #tpu.memory_space<hbm>> -> memref<16x384xf32, #tpu.memory_space<hbm>>
    %dma_start3A_64 = arith.constant 0 : i32
    %dma_start3A_65 = arith.constant 0 : i32
    %dma_start3A_66 = tpu.memref_slice %arg12[%dma_start3A_57, %dma_start3A_64, %dma_start3A_65] : memref<2x16x384xf32, #tpu.memory_space<vmem>> -> memref<1x16x384xf32, #tpu.memory_space<vmem>>
    %dma_start3A_67 = tpu.memref_squeeze %dma_start3A_66 : memref<1x16x384xf32, #tpu.memory_space<vmem>> -> memref<16x384xf32, #tpu.memory_space<vmem>>
    %dma_start3A_68 = arith.constant 0 : i32
    %dma_start3A_69 = tpu.memref_slice %arg6[%add3A_5, %dma_start3A_68] : memref<3072x384xf32, #tpu.memory_space<hbm>> -> memref<16x384xf32, #tpu.memory_space<hbm>>
    tpu.enqueue_dma source(%dma_start3A_69 : memref<16x384xf32, #tpu.memory_space<hbm>>) target(%dma_start3A_67 : memref<16x384xf32, #tpu.memory_space<vmem>>) target_semaphore(%arg14 : memref<!tpu.dma_semaphore, #tpu.memory_space<semaphore_mem>>)
    %add3A_70 = arith.constant 16 : i32
    %add3A_71 = arith.addi %mul3A_2, %add3A_70 : i32
    %dma_start3A_72 = arith.constant 1 : i32
    %dma_start3A_73 = arith.constant 0 : i32
    %dma_start3A_74 = arith.constant 0 : i32
    %dma_start3A_75 = tpu.memref_slice %arg8[%dma_start3A_72, %dma_start3A_73, %dma_start3A_74] : memref<2x16x384xf32, #tpu.memory_space<vmem>> -> memref<1x16x384xf32, #tpu.memory_space<vmem>>
    %dma_start3A_76 = tpu.memref_squeeze %dma_start3A_75 : memref<1x16x384xf32, #tpu.memory_space<vmem>> -> memref<16x384xf32, #tpu.memory_space<vmem>>
    %dma_start3A_77 = arith.constant 0 : i32
    %dma_start3A_78 = tpu.memref_slice %arg2[%add3A_71, %dma_start3A_77] : memref<3072x384xf32, #tpu.memory_space<hbm>> -> memref<16x384xf32, #tpu.memory_space<hbm>>
    %dma_start3A_79 = arith.constant 0 : i32
    %dma_start3A_80 = arith.constant 0 : i32
    %dma_start3A_81 = tpu.memref_slice %arg8[%dma_start3A_72, %dma_start3A_79, %dma_start3A_80] : memref<2x16x384xf32, #tpu.memory_space<vmem>> -> memref<1x16x384xf32, #tpu.memory_space<vmem>>
    %dma_start3A_82 = tpu.memref_squeeze %dma_start3A_81 : memref<1x16x384xf32, #tpu.memory_space<vmem>> -> memref<16x384xf32, #tpu.memory_space<vmem>>
    %dma_start3A_83 = arith.constant 0 : i32
    %dma_start3A_84 = tpu.memref_slice %arg2[%add3A_71, %dma_start3A_83] : memref<3072x384xf32, #tpu.memory_space<hbm>> -> memref<16x384xf32, #tpu.memory_space<hbm>>
    tpu.enqueue_dma source(%dma_start3A_84 : memref<16x384xf32, #tpu.memory_space<hbm>>) target(%dma_start3A_82 : memref<16x384xf32, #tpu.memory_space<vmem>>) target_semaphore(%arg15 : memref<!tpu.dma_semaphore, #tpu.memory_space<semaphore_mem>>)
    %dma_start3A_85 = arith.constant 1 : i32
    %dma_start3A_86 = arith.constant 0 : i32
    %dma_start3A_87 = arith.constant 0 : i32
    %dma_start3A_88 = tpu.memref_slice %arg9[%dma_start3A_85, %dma_start3A_86, %dma_start3A_87] : memref<2x16x384xf32, #tpu.memory_space<vmem>> -> memref<1x16x384xf32, #tpu.memory_space<vmem>>
    %dma_start3A_89 = tpu.memref_squeeze %dma_start3A_88 : memref<1x16x384xf32, #tpu.memory_space<vmem>> -> memref<16x384xf32, #tpu.memory_space<vmem>>
    %dma_start3A_90 = arith.constant 0 : i32
    %dma_start3A_91 = tpu.memref_slice %arg3[%add3A_71, %dma_start3A_90] : memref<3072x384xf32, #tpu.memory_space<hbm>> -> memref<16x384xf32, #tpu.memory_space<hbm>>
    %dma_start3A_92 = arith.constant 0 : i32
    %dma_start3A_93 = arith.constant 0 : i32
    %dma_start3A_94 = tpu.memref_slice %arg9[%dma_start3A_85, %dma_start3A_92, %dma_start3A_93] : memref<2x16x384xf32, #tpu.memory_space<vmem>> -> memref<1x16x384xf32, #tpu.memory_space<vmem>>
    %dma_start3A_95 = tpu.memref_squeeze %dma_start3A_94 : memref<1x16x384xf32, #tpu.memory_space<vmem>> -> memref<16x384xf32, #tpu.memory_space<vmem>>
    %dma_start3A_96 = arith.constant 0 : i32
    %dma_start3A_97 = tpu.memref_slice %arg3[%add3A_71, %dma_start3A_96] : memref<3072x384xf32, #tpu.memory_space<hbm>> -> memref<16x384xf32, #tpu.memory_space<hbm>>
    tpu.enqueue_dma source(%dma_start3A_97 : memref<16x384xf32, #tpu.memory_space<hbm>>) target(%dma_start3A_95 : memref<16x384xf32, #tpu.memory_space<vmem>>) target_semaphore(%arg15 : memref<!tpu.dma_semaphore, #tpu.memory_space<semaphore_mem>>)
    %dma_start3A_98 = arith.constant 1 : i32
    %dma_start3A_99 = arith.constant 0 : i32
    %dma_start3A_100 = arith.constant 0 : i32
    %dma_start3A_101 = tpu.memref_slice %arg10[%dma_start3A_98, %dma_start3A_99, %dma_start3A_100] : memref<2x16x384xf32, #tpu.memory_space<vmem>> -> memref<1x16x384xf32, #tpu.memory_space<vmem>>
    %dma_start3A_102 = tpu.memref_squeeze %dma_start3A_101 : memref<1x16x384xf32, #tpu.memory_space<vmem>> -> memref<16x384xf32, #tpu.memory_space<vmem>>
    %dma_start3A_103 = arith.constant 0 : i32
    %dma_start3A_104 = tpu.memref_slice %arg4[%add3A_71, %dma_start3A_103] : memref<3072x384xf32, #tpu.memory_space<hbm>> -> memref<16x384xf32, #tpu.memory_space<hbm>>
    %dma_start3A_105 = arith.constant 0 : i32
    %dma_start3A_106 = arith.constant 0 : i32
    %dma_start3A_107 = tpu.memref_slice %arg10[%dma_start3A_98, %dma_start3A_105, %dma_start3A_106] : memref<2x16x384xf32, #tpu.memory_space<vmem>> -> memref<1x16x384xf32, #tpu.memory_space<vmem>>
    %dma_start3A_108 = tpu.memref_squeeze %dma_start3A_107 : memref<1x16x384xf32, #tpu.memory_space<vmem>> -> memref<16x384xf32, #tpu.memory_space<vmem>>
    %dma_start3A_109 = arith.constant 0 : i32
    %dma_start3A_110 = tpu.memref_slice %arg4[%add3A_71, %dma_start3A_109] : memref<3072x384xf32, #tpu.memory_space<hbm>> -> memref<16x384xf32, #tpu.memory_space<hbm>>
    tpu.enqueue_dma source(%dma_start3A_110 : memref<16x384xf32, #tpu.memory_space<hbm>>) target(%dma_start3A_108 : memref<16x384xf32, #tpu.memory_space<vmem>>) target_semaphore(%arg15 : memref<!tpu.dma_semaphore, #tpu.memory_space<semaphore_mem>>)
    %dma_start3A_111 = arith.constant 1 : i32
    %dma_start3A_112 = arith.constant 0 : i32
    %dma_start3A_113 = arith.constant 0 : i32
    %dma_start3A_114 = tpu.memref_slice %arg11[%dma_start3A_111, %dma_start3A_112, %dma_start3A_113] : memref<2x16x384xf32, #tpu.memory_space<vmem>> -> memref<1x16x384xf32, #tpu.memory_space<vmem>>
    %dma_start3A_115 = tpu.memref_squeeze %dma_start3A_114 : memref<1x16x384xf32, #tpu.memory_space<vmem>> -> memref<16x384xf32, #tpu.memory_space<vmem>>
    %dma_start3A_116 = arith.constant 0 : i32
    %dma_start3A_117 = tpu.memref_slice %arg5[%add3A_71, %dma_start3A_116] : memref<3072x384xf32, #tpu.memory_space<hbm>> -> memref<16x384xf32, #tpu.memory_space<hbm>>
    %dma_start3A_118 = arith.constant 0 : i32
    %dma_start3A_119 = arith.constant 0 : i32
    %dma_start3A_120 = tpu.memref_slice %arg11[%dma_start3A_111, %dma_start3A_118, %dma_start3A_119] : memref<2x16x384xf32, #tpu.memory_space<vmem>> -> memref<1x16x384xf32, #tpu.memory_space<vmem>>
    %dma_start3A_121 = tpu.memref_squeeze %dma_start3A_120 : memref<1x16x384xf32, #tpu.memory_space<vmem>> -> memref<16x384xf32, #tpu.memory_space<vmem>>
    %dma_start3A_122 = arith.constant 0 : i32
    %dma_start3A_123 = tpu.memref_slice %arg5[%add3A_71, %dma_start3A_122] : memref<3072x384xf32, #tpu.memory_space<hbm>> -> memref<16x384xf32, #tpu.memory_space<hbm>>
    tpu.enqueue_dma source(%dma_start3A_123 : memref<16x384xf32, #tpu.memory_space<hbm>>) target(%dma_start3A_121 : memref<16x384xf32, #tpu.memory_space<vmem>>) target_semaphore(%arg15 : memref<!tpu.dma_semaphore, #tpu.memory_space<semaphore_mem>>)
    %dma_start3A_124 = arith.constant 1 : i32
    %dma_start3A_125 = arith.constant 0 : i32
    %dma_start3A_126 = arith.constant 0 : i32
    %dma_start3A_127 = tpu.memref_slice %arg12[%dma_start3A_124, %dma_start3A_125, %dma_start3A_126] : memref<2x16x384xf32, #tpu.memory_space<vmem>> -> memref<1x16x384xf32, #tpu.memory_space<vmem>>
    %dma_start3A_128 = tpu.memref_squeeze %dma_start3A_127 : memref<1x16x384xf32, #tpu.memory_space<vmem>> -> memref<16x384xf32, #tpu.memory_space<vmem>>
    %dma_start3A_129 = arith.constant 0 : i32
    %dma_start3A_130 = tpu.memref_slice %arg6[%add3A_71, %dma_start3A_129] : memref<3072x384xf32, #tpu.memory_space<hbm>> -> memref<16x384xf32, #tpu.memory_space<hbm>>
    %dma_start3A_131 = arith.constant 0 : i32
    %dma_start3A_132 = arith.constant 0 : i32
    %dma_start3A_133 = tpu.memref_slice %arg12[%dma_start3A_124, %dma_start3A_131, %dma_start3A_132] : memref<2x16x384xf32, #tpu.memory_space<vmem>> -> memref<1x16x384xf32, #tpu.memory_space<vmem>>
    %dma_start3A_134 = tpu.memref_squeeze %dma_start3A_133 : memref<1x16x384xf32, #tpu.memory_space<vmem>> -> memref<16x384xf32, #tpu.memory_space<vmem>>
    %dma_start3A_135 = arith.constant 0 : i32
    %dma_start3A_136 = tpu.memref_slice %arg6[%add3A_71, %dma_start3A_135] : memref<3072x384xf32, #tpu.memory_space<hbm>> -> memref<16x384xf32, #tpu.memory_space<hbm>>
    tpu.enqueue_dma source(%dma_start3A_136 : memref<16x384xf32, #tpu.memory_space<hbm>>) target(%dma_start3A_134 : memref<16x384xf32, #tpu.memory_space<vmem>>) target_semaphore(%arg15 : memref<!tpu.dma_semaphore, #tpu.memory_space<semaphore_mem>>)
    %dma_wait3A = arith.constant 0 : i32
    %dma_wait3A_137 = arith.constant 0 : i32
    %dma_wait3A_138 = arith.constant 0 : i32
    %dma_wait3A_139 = tpu.memref_slice %arg8[%dma_wait3A, %dma_wait3A_137, %dma_wait3A_138] : memref<2x16x384xf32, #tpu.memory_space<vmem>> -> memref<1x16x384xf32, #tpu.memory_space<vmem>>
    %dma_wait3A_140 = tpu.memref_squeeze %dma_wait3A_139 : memref<1x16x384xf32, #tpu.memory_space<vmem>> -> memref<16x384xf32, #tpu.memory_space<vmem>>
    %dma_wait3A_141 = arith.constant 0 : i32
    %dma_wait3A_142 = tpu.memref_slice %arg2[%add3A_5, %dma_wait3A_141] : memref<3072x384xf32, #tpu.memory_space<hbm>> -> memref<16x384xf32, #tpu.memory_space<hbm>>
    %dma_wait3A_143 = arith.constant 0 : i32
    %dma_wait3A_144 = arith.constant 0 : i32
    %dma_wait3A_145 = tpu.memref_slice %arg8[%dma_wait3A, %dma_wait3A_143, %dma_wait3A_144] : memref<2x16x384xf32, #tpu.memory_space<vmem>> -> memref<1x16x384xf32, #tpu.memory_space<vmem>>
    %dma_wait3A_146 = tpu.memref_squeeze %dma_wait3A_145 : memref<1x16x384xf32, #tpu.memory_space<vmem>> -> memref<16x384xf32, #tpu.memory_space<vmem>>
    %dma_wait3A_147 = arith.constant 0 : i32
    %dma_wait3A_148 = tpu.memref_slice %arg2[%add3A_5, %dma_wait3A_147] : memref<3072x384xf32, #tpu.memory_space<hbm>> -> memref<16x384xf32, #tpu.memory_space<hbm>>
    tpu.wait_dma2 semaphore(%arg14 : memref<!tpu.dma_semaphore, #tpu.memory_space<semaphore_mem>>) src(%dma_wait3A_148 : memref<16x384xf32, #tpu.memory_space<hbm>>) dst(%dma_wait3A_146 : memref<16x384xf32, #tpu.memory_space<vmem>>)
    %dma_wait3A_149 = arith.constant 0 : i32
    %dma_wait3A_150 = arith.constant 0 : i32
    %dma_wait3A_151 = arith.constant 0 : i32
    %dma_wait3A_152 = tpu.memref_slice %arg9[%dma_wait3A_149, %dma_wait3A_150, %dma_wait3A_151] : memref<2x16x384xf32, #tpu.memory_space<vmem>> -> memref<1x16x384xf32, #tpu.memory_space<vmem>>
    %dma_wait3A_153 = tpu.memref_squeeze %dma_wait3A_152 : memref<1x16x384xf32, #tpu.memory_space<vmem>> -> memref<16x384xf32, #tpu.memory_space<vmem>>
    %dma_wait3A_154 = arith.constant 0 : i32
    %dma_wait3A_155 = tpu.memref_slice %arg3[%add3A_5, %dma_wait3A_154] : memref<3072x384xf32, #tpu.memory_space<hbm>> -> memref<16x384xf32, #tpu.memory_space<hbm>>
    %dma_wait3A_156 = arith.constant 0 : i32
    %dma_wait3A_157 = arith.constant 0 : i32
    %dma_wait3A_158 = tpu.memref_slice %arg9[%dma_wait3A_149, %dma_wait3A_156, %dma_wait3A_157] : memref<2x16x384xf32, #tpu.memory_space<vmem>> -> memref<1x16x384xf32, #tpu.memory_space<vmem>>
    %dma_wait3A_159 = tpu.memref_squeeze %dma_wait3A_158 : memref<1x16x384xf32, #tpu.memory_space<vmem>> -> memref<16x384xf32, #tpu.memory_space<vmem>>
    %dma_wait3A_160 = arith.constant 0 : i32
    %dma_wait3A_161 = tpu.memref_slice %arg3[%add3A_5, %dma_wait3A_160] : memref<3072x384xf32, #tpu.memory_space<hbm>> -> memref<16x384xf32, #tpu.memory_space<hbm>>
    tpu.wait_dma2 semaphore(%arg14 : memref<!tpu.dma_semaphore, #tpu.memory_space<semaphore_mem>>) src(%dma_wait3A_161 : memref<16x384xf32, #tpu.memory_space<hbm>>) dst(%dma_wait3A_159 : memref<16x384xf32, #tpu.memory_space<vmem>>)
    %dma_wait3A_162 = arith.constant 0 : i32
    %dma_wait3A_163 = arith.constant 0 : i32
    %dma_wait3A_164 = arith.constant 0 : i32
    %dma_wait3A_165 = tpu.memref_slice %arg10[%dma_wait3A_162, %dma_wait3A_163, %dma_wait3A_164] : memref<2x16x384xf32, #tpu.memory_space<vmem>> -> memref<1x16x384xf32, #tpu.memory_space<vmem>>
    %dma_wait3A_166 = tpu.memref_squeeze %dma_wait3A_165 : memref<1x16x384xf32, #tpu.memory_space<vmem>> -> memref<16x384xf32, #tpu.memory_space<vmem>>
    %dma_wait3A_167 = arith.constant 0 : i32
    %dma_wait3A_168 = tpu.memref_slice %arg4[%add3A_5, %dma_wait3A_167] : memref<3072x384xf32, #tpu.memory_space<hbm>> -> memref<16x384xf32, #tpu.memory_space<hbm>>
    %dma_wait3A_169 = arith.constant 0 : i32
    %dma_wait3A_170 = arith.constant 0 : i32
    %dma_wait3A_171 = tpu.memref_slice %arg10[%dma_wait3A_162, %dma_wait3A_169, %dma_wait3A_170] : memref<2x16x384xf32, #tpu.memory_space<vmem>> -> memref<1x16x384xf32, #tpu.memory_space<vmem>>
    %dma_wait3A_172 = tpu.memref_squeeze %dma_wait3A_171 : memref<1x16x384xf32, #tpu.memory_space<vmem>> -> memref<16x384xf32, #tpu.memory_space<vmem>>
    %dma_wait3A_173 = arith.constant 0 : i32
    %dma_wait3A_174 = tpu.memref_slice %arg4[%add3A_5, %dma_wait3A_173] : memref<3072x384xf32, #tpu.memory_space<hbm>> -> memref<16x384xf32, #tpu.memory_space<hbm>>
    tpu.wait_dma2 semaphore(%arg14 : memref<!tpu.dma_semaphore, #tpu.memory_space<semaphore_mem>>) src(%dma_wait3A_174 : memref<16x384xf32, #tpu.memory_space<hbm>>) dst(%dma_wait3A_172 : memref<16x384xf32, #tpu.memory_space<vmem>>)
    %dma_wait3A_175 = arith.constant 0 : i32
    %dma_wait3A_176 = arith.constant 0 : i32
    %dma_wait3A_177 = arith.constant 0 : i32
    %dma_wait3A_178 = tpu.memref_slice %arg11[%dma_wait3A_175, %dma_wait3A_176, %dma_wait3A_177] : memref<2x16x384xf32, #tpu.memory_space<vmem>> -> memref<1x16x384xf32, #tpu.memory_space<vmem>>
    %dma_wait3A_179 = tpu.memref_squeeze %dma_wait3A_178 : memref<1x16x384xf32, #tpu.memory_space<vmem>> -> memref<16x384xf32, #tpu.memory_space<vmem>>
    %dma_wait3A_180 = arith.constant 0 : i32
    %dma_wait3A_181 = tpu.memref_slice %arg5[%add3A_5, %dma_wait3A_180] : memref<3072x384xf32, #tpu.memory_space<hbm>> -> memref<16x384xf32, #tpu.memory_space<hbm>>
    %dma_wait3A_182 = arith.constant 0 : i32
    %dma_wait3A_183 = arith.constant 0 : i32
    %dma_wait3A_184 = tpu.memref_slice %arg11[%dma_wait3A_175, %dma_wait3A_182, %dma_wait3A_183] : memref<2x16x384xf32, #tpu.memory_space<vmem>> -> memref<1x16x384xf32, #tpu.memory_space<vmem>>
    %dma_wait3A_185 = tpu.memref_squeeze %dma_wait3A_184 : memref<1x16x384xf32, #tpu.memory_space<vmem>> -> memref<16x384xf32, #tpu.memory_space<vmem>>
    %dma_wait3A_186 = arith.constant 0 : i32
    %dma_wait3A_187 = tpu.memref_slice %arg5[%add3A_5, %dma_wait3A_186] : memref<3072x384xf32, #tpu.memory_space<hbm>> -> memref<16x384xf32, #tpu.memory_space<hbm>>
    tpu.wait_dma2 semaphore(%arg14 : memref<!tpu.dma_semaphore, #tpu.memory_space<semaphore_mem>>) src(%dma_wait3A_187 : memref<16x384xf32, #tpu.memory_space<hbm>>) dst(%dma_wait3A_185 : memref<16x384xf32, #tpu.memory_space<vmem>>)
    %dma_wait3A_188 = arith.constant 0 : i32
    %dma_wait3A_189 = arith.constant 0 : i32
    %dma_wait3A_190 = arith.constant 0 : i32
    %dma_wait3A_191 = tpu.memref_slice %arg12[%dma_wait3A_188, %dma_wait3A_189, %dma_wait3A_190] : memref<2x16x384xf32, #tpu.memory_space<vmem>> -> memref<1x16x384xf32, #tpu.memory_space<vmem>>
    %dma_wait3A_192 = tpu.memref_squeeze %dma_wait3A_191 : memref<1x16x384xf32, #tpu.memory_space<vmem>> -> memref<16x384xf32, #tpu.memory_space<vmem>>
    %dma_wait3A_193 = arith.constant 0 : i32
    %dma_wait3A_194 = tpu.memref_slice %arg6[%add3A_5, %dma_wait3A_193] : memref<3072x384xf32, #tpu.memory_space<hbm>> -> memref<16x384xf32, #tpu.memory_space<hbm>>
    %dma_wait3A_195 = arith.constant 0 : i32
    %dma_wait3A_196 = arith.constant 0 : i32
    %dma_wait3A_197 = tpu.memref_slice %arg12[%dma_wait3A_188, %dma_wait3A_195, %dma_wait3A_196] : memref<2x16x384xf32, #tpu.memory_space<vmem>> -> memref<1x16x384xf32, #tpu.memory_space<vmem>>
    %dma_wait3A_198 = tpu.memref_squeeze %dma_wait3A_197 : memref<1x16x384xf32, #tpu.memory_space<vmem>> -> memref<16x384xf32, #tpu.memory_space<vmem>>
    %dma_wait3A_199 = arith.constant 0 : i32
    %dma_wait3A_200 = tpu.memref_slice %arg6[%add3A_5, %dma_wait3A_199] : memref<3072x384xf32, #tpu.memory_space<hbm>> -> memref<16x384xf32, #tpu.memory_space<hbm>>
    tpu.wait_dma2 semaphore(%arg14 : memref<!tpu.dma_semaphore, #tpu.memory_space<semaphore_mem>>) src(%dma_wait3A_200 : memref<16x384xf32, #tpu.memory_space<hbm>>) dst(%dma_wait3A_198 : memref<16x384xf32, #tpu.memory_space<vmem>>)
    %scan3A = arith.constant 0 : i32
    %scan3A_201 = arith.constant 16 : i32
    %scan3A_202 = arith.addi %scan3A, %scan3A_201 : i32
    %scan3A_203 = arith.constant 1 : i32
    %scan3A_204:6 = scf.for %scan3A_312 = %scan3A to %scan3A_202 step %scan3A_203 iter_args(%scan3A_313 = %broadcast_in_dim3A_3, %scan3A_314 = %broadcast_in_dim3A_3, %scan3A_315 = %broadcast_in_dim3A_3, %scan3A_316 = %broadcast_in_dim3A_3, %scan3A_317 = %broadcast_in_dim3A_3, %scan3A_318 = %broadcast_in_dim3A_3) -> (vector<16xf32>, vector<16xf32>, vector<16xf32>, vector<16xf32>, vector<16xf32>, vector<16xf32>)  : i32 {
      %scan3A_319 = arith.constant 0 : i32
      %scan3A_320 = arith.constant 24 : i32
      %scan3A_321 = arith.addi %scan3A_319, %scan3A_320 : i32
      %scan3A_322 = arith.constant 1 : i32
      %scan3A_323:6 = scf.for %scan3A_325 = %scan3A_319 to %scan3A_321 step %scan3A_322 iter_args(%scan3A_326 = %scan3A_313, %scan3A_327 = %scan3A_314, %scan3A_328 = %scan3A_315, %scan3A_329 = %scan3A_316, %scan3A_330 = %scan3A_317, %scan3A_331 = %scan3A_318) -> (vector<16xf32>, vector<16xf32>, vector<16xf32>, vector<16xf32>, vector<16xf32>, vector<16xf32>)  : i32 {
        %mul3A_332 = arith.constant 16 : i32
        %mul3A_333 = arith.muli %scan3A_325, %mul3A_332 : i32
        %get3A = arith.constant 0 : i32
        %get3A_334 = arith.index_cast %get3A : i32 to index
        %get3A_335 = arith.index_cast %scan3A_312 : i32 to index
        %get3A_336 = arith.index_cast %mul3A_333 : i32 to index
        %get3A_337 = tpu.vector_load %arg8[%get3A_334, %get3A_335, %get3A_336] {strides = array<i32>} : memref<2x16x384xf32, #tpu.memory_space<vmem>>, vector<1x1x16xf32>,
        %get3A_338 = vector.shape_cast %get3A_337 : vector<1x1x16xf32> to vector<16xf32>
        %get3A_339 = arith.constant 0 : i32
        %get3A_340 = arith.index_cast %get3A_339 : i32 to index
        %get3A_341 = arith.index_cast %scan3A_312 : i32 to index
        %get3A_342 = arith.index_cast %mul3A_333 : i32 to index
        %get3A_343 = tpu.vector_load %arg9[%get3A_340, %get3A_341, %get3A_342] {strides = array<i32>} : memref<2x16x384xf32, #tpu.memory_space<vmem>>, vector<1x1x16xf32>,
        %get3A_344 = vector.shape_cast %get3A_343 : vector<1x1x16xf32> to vector<16xf32>
        %get3A_345 = arith.constant 0 : i32
        %get3A_346 = arith.index_cast %get3A_345 : i32 to index
        %get3A_347 = arith.index_cast %scan3A_312 : i32 to index
        %get3A_348 = arith.index_cast %mul3A_333 : i32 to index
        %get3A_349 = tpu.vector_load %arg10[%get3A_346, %get3A_347, %get3A_348] {strides = array<i32>} : memref<2x16x384xf32, #tpu.memory_space<vmem>>, vector<1x1x16xf32>,
        %get3A_350 = vector.shape_cast %get3A_349 : vector<1x1x16xf32> to vector<16xf32>
        %get3A_351 = arith.constant 0 : i32
        %get3A_352 = arith.index_cast %get3A_351 : i32 to index
        %get3A_353 = arith.index_cast %scan3A_312 : i32 to index
        %get3A_354 = arith.index_cast %mul3A_333 : i32 to index
        %get3A_355 = tpu.vector_load %arg11[%get3A_352, %get3A_353, %get3A_354] {strides = array<i32>} : memref<2x16x384xf32, #tpu.memory_space<vmem>>, vector<1x1x16xf32>,
        %get3A_356 = vector.shape_cast %get3A_355 : vector<1x1x16xf32> to vector<16xf32>
        %get3A_357 = arith.constant 0 : i32
        %get3A_358 = arith.index_cast %get3A_357 : i32 to index
        %get3A_359 = arith.index_cast %scan3A_312 : i32 to index
        %get3A_360 = arith.index_cast %mul3A_333 : i32 to index
        %get3A_361 = tpu.vector_load %arg12[%get3A_358, %get3A_359, %get3A_360] {strides = array<i32>} : memref<2x16x384xf32, #tpu.memory_space<vmem>>, vector<1x1x16xf32>,
        %get3A_362 = vector.shape_cast %get3A_361 : vector<1x1x16xf32> to vector<16xf32>
        %broadcast_in_dim3A_363 = arith.constant 0.000000e+00 : f32
        %broadcast_in_dim3A_364 = vector.broadcast %broadcast_in_dim3A_363 : f32 to vector<16xf32>
        %broadcast_in_dim3A_365 = arith.constant 1.000000e+00 : f32
        %broadcast_in_dim3A_366 = vector.broadcast %broadcast_in_dim3A_365 : f32 to vector<16xf32>
        %sub3A = arith.subf %get3A_338, %get3A_344 : vector<16xf32>
        %mul3A_367 = arith.mulf %sub3A, %sub3A : vector<16xf32>
        %mul3A_368 = arith.mulf %mul3A_367, %get3A_362 : vector<16xf32>
        %gt3A = arith.constant 0.699999988 : f32
        %gt3A_369 = vector.broadcast %gt3A : f32 to vector<16xf32>
        %gt3A_370 = arith.cmpf ogt, %get3A_338, %gt3A_369 : vector<16xf32>
        %sub3A_371 = arith.subf %get3A_350, %get3A_356 : vector<16xf32>
        %mul3A_372 = arith.mulf %sub3A_371, %sub3A_371 : vector<16xf32>
        %mul3A_373 = arith.mulf %mul3A_372, %get3A_362 : vector<16xf32>
        %gt3A_374 = arith.constant 0.699999988 : f32
        %gt3A_375 = vector.broadcast %gt3A_374 : f32 to vector<16xf32>
        %gt3A_376 = arith.cmpf ogt, %get3A_350, %gt3A_375 : vector<16xf32>
        %add3A_377 = arith.addf %scan3A_326, %mul3A_368 : vector<16xf32>
        %select_n3A = arith.select %gt3A_370, %mul3A_368, %broadcast_in_dim3A_364 : vector<16xi1>, vector<16xf32>
        %add3A_378 = arith.addf %scan3A_327, %select_n3A : vector<16xf32>
        %select_n3A_379 = arith.select %gt3A_370, %broadcast_in_dim3A_366, %broadcast_in_dim3A_364 : vector<16xi1>, vector<16xf32>
        %add3A_380 = arith.addf %scan3A_328, %select_n3A_379 : vector<16xf32>
        %add3A_381 = arith.addf %scan3A_329, %mul3A_373 : vector<16xf32>
        %select_n3A_382 = arith.select %gt3A_376, %mul3A_373, %broadcast_in_dim3A_364 : vector<16xi1>, vector<16xf32>
        %add3A_383 = arith.addf %scan3A_330, %select_n3A_382 : vector<16xf32>
        %select_n3A_384 = arith.select %gt3A_376, %broadcast_in_dim3A_366, %broadcast_in_dim3A_364 : vector<16xi1>, vector<16xf32>
        %add3A_385 = arith.addf %scan3A_331, %select_n3A_384 : vector<16xf32>
        scf.yield %add3A_377, %add3A_378, %add3A_380, %add3A_381, %add3A_383, %add3A_385 : vector<16xf32>, vector<16xf32>, vector<16xf32>, vector<16xf32>, vector<16xf32>, vector<16xf32>
      }
      %scan3A_324 = arith.constant 24 : i32
      scf.yield %scan3A_323#0, %scan3A_323#1, %scan3A_323#2, %scan3A_323#3, %scan3A_323#4, %scan3A_323#5 : vector<16xf32>, vector<16xf32>, vector<16xf32>, vector<16xf32>, vector<16xf32>, vector<16xf32>
    }
    %scan3A_205 = arith.constant 16 : i32
    %dma_wait3A_206 = arith.constant 1 : i32
    %dma_wait3A_207 = arith.constant 0 : i32
    %dma_wait3A_208 = arith.constant 0 : i32
    %dma_wait3A_209 = tpu.memref_slice %arg8[%dma_wait3A_206, %dma_wait3A_207, %dma_wait3A_208] : memref<2x16x384xf32, #tpu.memory_space<vmem>> -> memref<1x16x384xf32, #tpu.memory_space<vmem>>
    %dma_wait3A_210 = tpu.memref_squeeze %dma_wait3A_209 : memref<1x16x384xf32, #tpu.memory_space<vmem>> -> memref<16x384xf32, #tpu.memory_space<vmem>>
    %dma_wait3A_211 = arith.constant 0 : i32
    %dma_wait3A_212 = tpu.memref_slice %arg2[%add3A_71, %dma_wait3A_211] : memref<3072x384xf32, #tpu.memory_space<hbm>> -> memref<16x384xf32, #tpu.memory_space<hbm>>
    %dma_wait3A_213 = arith.constant 0 : i32
    %dma_wait3A_214 = arith.constant 0 : i32
    %dma_wait3A_215 = tpu.memref_slice %arg8[%dma_wait3A_206, %dma_wait3A_213, %dma_wait3A_214] : memref<2x16x384xf32, #tpu.memory_space<vmem>> -> memref<1x16x384xf32, #tpu.memory_space<vmem>>
    %dma_wait3A_216 = tpu.memref_squeeze %dma_wait3A_215 : memref<1x16x384xf32, #tpu.memory_space<vmem>> -> memref<16x384xf32, #tpu.memory_space<vmem>>
    %dma_wait3A_217 = arith.constant 0 : i32
    %dma_wait3A_218 = tpu.memref_slice %arg2[%add3A_71, %dma_wait3A_217] : memref<3072x384xf32, #tpu.memory_space<hbm>> -> memref<16x384xf32, #tpu.memory_space<hbm>>
    tpu.wait_dma2 semaphore(%arg15 : memref<!tpu.dma_semaphore, #tpu.memory_space<semaphore_mem>>) src(%dma_wait3A_218 : memref<16x384xf32, #tpu.memory_space<hbm>>) dst(%dma_wait3A_216 : memref<16x384xf32, #tpu.memory_space<vmem>>)
    %dma_wait3A_219 = arith.constant 1 : i32
    %dma_wait3A_220 = arith.constant 0 : i32
    %dma_wait3A_221 = arith.constant 0 : i32
    %dma_wait3A_222 = tpu.memref_slice %arg9[%dma_wait3A_219, %dma_wait3A_220, %dma_wait3A_221] : memref<2x16x384xf32, #tpu.memory_space<vmem>> -> memref<1x16x384xf32, #tpu.memory_space<vmem>>
    %dma_wait3A_223 = tpu.memref_squeeze %dma_wait3A_222 : memref<1x16x384xf32, #tpu.memory_space<vmem>> -> memref<16x384xf32, #tpu.memory_space<vmem>>
    %dma_wait3A_224 = arith.constant 0 : i32
    %dma_wait3A_225 = tpu.memref_slice %arg3[%add3A_71, %dma_wait3A_224] : memref<3072x384xf32, #tpu.memory_space<hbm>> -> memref<16x384xf32, #tpu.memory_space<hbm>>
    %dma_wait3A_226 = arith.constant 0 : i32
    %dma_wait3A_227 = arith.constant 0 : i32
    %dma_wait3A_228 = tpu.memref_slice %arg9[%dma_wait3A_219, %dma_wait3A_226, %dma_wait3A_227] : memref<2x16x384xf32, #tpu.memory_space<vmem>> -> memref<1x16x384xf32, #tpu.memory_space<vmem>>
    %dma_wait3A_229 = tpu.memref_squeeze %dma_wait3A_228 : memref<1x16x384xf32, #tpu.memory_space<vmem>> -> memref<16x384xf32, #tpu.memory_space<vmem>>
    %dma_wait3A_230 = arith.constant 0 : i32
    %dma_wait3A_231 = tpu.memref_slice %arg3[%add3A_71, %dma_wait3A_230] : memref<3072x384xf32, #tpu.memory_space<hbm>> -> memref<16x384xf32, #tpu.memory_space<hbm>>
    tpu.wait_dma2 semaphore(%arg15 : memref<!tpu.dma_semaphore, #tpu.memory_space<semaphore_mem>>) src(%dma_wait3A_231 : memref<16x384xf32, #tpu.memory_space<hbm>>) dst(%dma_wait3A_229 : memref<16x384xf32, #tpu.memory_space<vmem>>)
    %dma_wait3A_232 = arith.constant 1 : i32
    %dma_wait3A_233 = arith.constant 0 : i32
    %dma_wait3A_234 = arith.constant 0 : i32
    %dma_wait3A_235 = tpu.memref_slice %arg10[%dma_wait3A_232, %dma_wait3A_233, %dma_wait3A_234] : memref<2x16x384xf32, #tpu.memory_space<vmem>> -> memref<1x16x384xf32, #tpu.memory_space<vmem>>
    %dma_wait3A_236 = tpu.memref_squeeze %dma_wait3A_235 : memref<1x16x384xf32, #tpu.memory_space<vmem>> -> memref<16x384xf32, #tpu.memory_space<vmem>>
    %dma_wait3A_237 = arith.constant 0 : i32
    %dma_wait3A_238 = tpu.memref_slice %arg4[%add3A_71, %dma_wait3A_237] : memref<3072x384xf32, #tpu.memory_space<hbm>> -> memref<16x384xf32, #tpu.memory_space<hbm>>
    %dma_wait3A_239 = arith.constant 0 : i32
    %dma_wait3A_240 = arith.constant 0 : i32
    %dma_wait3A_241 = tpu.memref_slice %arg10[%dma_wait3A_232, %dma_wait3A_239, %dma_wait3A_240] : memref<2x16x384xf32, #tpu.memory_space<vmem>> -> memref<1x16x384xf32, #tpu.memory_space<vmem>>
    %dma_wait3A_242 = tpu.memref_squeeze %dma_wait3A_241 : memref<1x16x384xf32, #tpu.memory_space<vmem>> -> memref<16x384xf32, #tpu.memory_space<vmem>>
    %dma_wait3A_243 = arith.constant 0 : i32
    %dma_wait3A_244 = tpu.memref_slice %arg4[%add3A_71, %dma_wait3A_243] : memref<3072x384xf32, #tpu.memory_space<hbm>> -> memref<16x384xf32, #tpu.memory_space<hbm>>
    tpu.wait_dma2 semaphore(%arg15 : memref<!tpu.dma_semaphore, #tpu.memory_space<semaphore_mem>>) src(%dma_wait3A_244 : memref<16x384xf32, #tpu.memory_space<hbm>>) dst(%dma_wait3A_242 : memref<16x384xf32, #tpu.memory_space<vmem>>)
    %dma_wait3A_245 = arith.constant 1 : i32
    %dma_wait3A_246 = arith.constant 0 : i32
    %dma_wait3A_247 = arith.constant 0 : i32
    %dma_wait3A_248 = tpu.memref_slice %arg11[%dma_wait3A_245, %dma_wait3A_246, %dma_wait3A_247] : memref<2x16x384xf32, #tpu.memory_space<vmem>> -> memref<1x16x384xf32, #tpu.memory_space<vmem>>
    %dma_wait3A_249 = tpu.memref_squeeze %dma_wait3A_248 : memref<1x16x384xf32, #tpu.memory_space<vmem>> -> memref<16x384xf32, #tpu.memory_space<vmem>>
    %dma_wait3A_250 = arith.constant 0 : i32
    %dma_wait3A_251 = tpu.memref_slice %arg5[%add3A_71, %dma_wait3A_250] : memref<3072x384xf32, #tpu.memory_space<hbm>> -> memref<16x384xf32, #tpu.memory_space<hbm>>
    %dma_wait3A_252 = arith.constant 0 : i32
    %dma_wait3A_253 = arith.constant 0 : i32
    %dma_wait3A_254 = tpu.memref_slice %arg11[%dma_wait3A_245, %dma_wait3A_252, %dma_wait3A_253] : memref<2x16x384xf32, #tpu.memory_space<vmem>> -> memref<1x16x384xf32, #tpu.memory_space<vmem>>
    %dma_wait3A_255 = tpu.memref_squeeze %dma_wait3A_254 : memref<1x16x384xf32, #tpu.memory_space<vmem>> -> memref<16x384xf32, #tpu.memory_space<vmem>>
    %dma_wait3A_256 = arith.constant 0 : i32
    %dma_wait3A_257 = tpu.memref_slice %arg5[%add3A_71, %dma_wait3A_256] : memref<3072x384xf32, #tpu.memory_space<hbm>> -> memref<16x384xf32, #tpu.memory_space<hbm>>
    tpu.wait_dma2 semaphore(%arg15 : memref<!tpu.dma_semaphore, #tpu.memory_space<semaphore_mem>>) src(%dma_wait3A_257 : memref<16x384xf32, #tpu.memory_space<hbm>>) dst(%dma_wait3A_255 : memref<16x384xf32, #tpu.memory_space<vmem>>)
    %dma_wait3A_258 = arith.constant 1 : i32
    %dma_wait3A_259 = arith.constant 0 : i32
    %dma_wait3A_260 = arith.constant 0 : i32
    %dma_wait3A_261 = tpu.memref_slice %arg12[%dma_wait3A_258, %dma_wait3A_259, %dma_wait3A_260] : memref<2x16x384xf32, #tpu.memory_space<vmem>> -> memref<1x16x384xf32, #tpu.memory_space<vmem>>
    %dma_wait3A_262 = tpu.memref_squeeze %dma_wait3A_261 : memref<1x16x384xf32, #tpu.memory_space<vmem>> -> memref<16x384xf32, #tpu.memory_space<vmem>>
    %dma_wait3A_263 = arith.constant 0 : i32
    %dma_wait3A_264 = tpu.memref_slice %arg6[%add3A_71, %dma_wait3A_263] : memref<3072x384xf32, #tpu.memory_space<hbm>> -> memref<16x384xf32, #tpu.memory_space<hbm>>
    %dma_wait3A_265 = arith.constant 0 : i32
    %dma_wait3A_266 = arith.constant 0 : i32
    %dma_wait3A_267 = tpu.memref_slice %arg12[%dma_wait3A_258, %dma_wait3A_265, %dma_wait3A_266] : memref<2x16x384xf32, #tpu.memory_space<vmem>> -> memref<1x16x384xf32, #tpu.memory_space<vmem>>
    %dma_wait3A_268 = tpu.memref_squeeze %dma_wait3A_267 : memref<1x16x384xf32, #tpu.memory_space<vmem>> -> memref<16x384xf32, #tpu.memory_space<vmem>>
    %dma_wait3A_269 = arith.constant 0 : i32
    %dma_wait3A_270 = tpu.memref_slice %arg6[%add3A_71, %dma_wait3A_269] : memref<3072x384xf32, #tpu.memory_space<hbm>> -> memref<16x384xf32, #tpu.memory_space<hbm>>
    tpu.wait_dma2 semaphore(%arg15 : memref<!tpu.dma_semaphore, #tpu.memory_space<semaphore_mem>>) src(%dma_wait3A_270 : memref<16x384xf32, #tpu.memory_space<hbm>>) dst(%dma_wait3A_268 : memref<16x384xf32, #tpu.memory_space<vmem>>)
    %scan3A_271 = arith.constant 0 : i32
    %scan3A_272 = arith.constant 16 : i32
    %scan3A_273 = arith.addi %scan3A_271, %scan3A_272 : i32
    %scan3A_274 = arith.constant 1 : i32
    %scan3A_275:6 = scf.for %scan3A_312 = %scan3A_271 to %scan3A_273 step %scan3A_274 iter_args(%scan3A_313 = %scan3A_204#0, %scan3A_314 = %scan3A_204#1, %scan3A_315 = %scan3A_204#2, %scan3A_316 = %scan3A_204#3, %scan3A_317 = %scan3A_204#4, %scan3A_318 = %scan3A_204#5) -> (vector<16xf32>, vector<16xf32>, vector<16xf32>, vector<16xf32>, vector<16xf32>, vector<16xf32>)  : i32 {
      %scan3A_319 = arith.constant 0 : i32
      %scan3A_320 = arith.constant 24 : i32
      %scan3A_321 = arith.addi %scan3A_319, %scan3A_320 : i32
      %scan3A_322 = arith.constant 1 : i32
      %scan3A_323:6 = scf.for %scan3A_325 = %scan3A_319 to %scan3A_321 step %scan3A_322 iter_args(%scan3A_326 = %scan3A_313, %scan3A_327 = %scan3A_314, %scan3A_328 = %scan3A_315, %scan3A_329 = %scan3A_316, %scan3A_330 = %scan3A_317, %scan3A_331 = %scan3A_318) -> (vector<16xf32>, vector<16xf32>, vector<16xf32>, vector<16xf32>, vector<16xf32>, vector<16xf32>)  : i32 {
        %mul3A_332 = arith.constant 16 : i32
        %mul3A_333 = arith.muli %scan3A_325, %mul3A_332 : i32
        %get3A = arith.constant 1 : i32
        %get3A_334 = arith.index_cast %get3A : i32 to index
        %get3A_335 = arith.index_cast %scan3A_312 : i32 to index
        %get3A_336 = arith.index_cast %mul3A_333 : i32 to index
        %get3A_337 = tpu.vector_load %arg8[%get3A_334, %get3A_335, %get3A_336] {strides = array<i32>} : memref<2x16x384xf32, #tpu.memory_space<vmem>>, vector<1x1x16xf32>,
        %get3A_338 = vector.shape_cast %get3A_337 : vector<1x1x16xf32> to vector<16xf32>
        %get3A_339 = arith.constant 1 : i32
        %get3A_340 = arith.index_cast %get3A_339 : i32 to index
        %get3A_341 = arith.index_cast %scan3A_312 : i32 to index
        %get3A_342 = arith.index_cast %mul3A_333 : i32 to index
        %get3A_343 = tpu.vector_load %arg9[%get3A_340, %get3A_341, %get3A_342] {strides = array<i32>} : memref<2x16x384xf32, #tpu.memory_space<vmem>>, vector<1x1x16xf32>,
        %get3A_344 = vector.shape_cast %get3A_343 : vector<1x1x16xf32> to vector<16xf32>
        %get3A_345 = arith.constant 1 : i32
        %get3A_346 = arith.index_cast %get3A_345 : i32 to index
        %get3A_347 = arith.index_cast %scan3A_312 : i32 to index
        %get3A_348 = arith.index_cast %mul3A_333 : i32 to index
        %get3A_349 = tpu.vector_load %arg10[%get3A_346, %get3A_347, %get3A_348] {strides = array<i32>} : memref<2x16x384xf32, #tpu.memory_space<vmem>>, vector<1x1x16xf32>,
        %get3A_350 = vector.shape_cast %get3A_349 : vector<1x1x16xf32> to vector<16xf32>
        %get3A_351 = arith.constant 1 : i32
        %get3A_352 = arith.index_cast %get3A_351 : i32 to index
        %get3A_353 = arith.index_cast %scan3A_312 : i32 to index
        %get3A_354 = arith.index_cast %mul3A_333 : i32 to index
        %get3A_355 = tpu.vector_load %arg11[%get3A_352, %get3A_353, %get3A_354] {strides = array<i32>} : memref<2x16x384xf32, #tpu.memory_space<vmem>>, vector<1x1x16xf32>,
        %get3A_356 = vector.shape_cast %get3A_355 : vector<1x1x16xf32> to vector<16xf32>
        %get3A_357 = arith.constant 1 : i32
        %get3A_358 = arith.index_cast %get3A_357 : i32 to index
        %get3A_359 = arith.index_cast %scan3A_312 : i32 to index
        %get3A_360 = arith.index_cast %mul3A_333 : i32 to index
        %get3A_361 = tpu.vector_load %arg12[%get3A_358, %get3A_359, %get3A_360] {strides = array<i32>} : memref<2x16x384xf32, #tpu.memory_space<vmem>>, vector<1x1x16xf32>,
        %get3A_362 = vector.shape_cast %get3A_361 : vector<1x1x16xf32> to vector<16xf32>
        %broadcast_in_dim3A_363 = arith.constant 0.000000e+00 : f32
        %broadcast_in_dim3A_364 = vector.broadcast %broadcast_in_dim3A_363 : f32 to vector<16xf32>
        %broadcast_in_dim3A_365 = arith.constant 1.000000e+00 : f32
        %broadcast_in_dim3A_366 = vector.broadcast %broadcast_in_dim3A_365 : f32 to vector<16xf32>
        %sub3A = arith.subf %get3A_338, %get3A_344 : vector<16xf32>
        %mul3A_367 = arith.mulf %sub3A, %sub3A : vector<16xf32>
        %mul3A_368 = arith.mulf %mul3A_367, %get3A_362 : vector<16xf32>
        %gt3A = arith.constant 0.699999988 : f32
        %gt3A_369 = vector.broadcast %gt3A : f32 to vector<16xf32>
        %gt3A_370 = arith.cmpf ogt, %get3A_338, %gt3A_369 : vector<16xf32>
        %sub3A_371 = arith.subf %get3A_350, %get3A_356 : vector<16xf32>
        %mul3A_372 = arith.mulf %sub3A_371, %sub3A_371 : vector<16xf32>
        %mul3A_373 = arith.mulf %mul3A_372, %get3A_362 : vector<16xf32>
        %gt3A_374 = arith.constant 0.699999988 : f32
        %gt3A_375 = vector.broadcast %gt3A_374 : f32 to vector<16xf32>
        %gt3A_376 = arith.cmpf ogt, %get3A_350, %gt3A_375 : vector<16xf32>
        %add3A_377 = arith.addf %scan3A_326, %mul3A_368 : vector<16xf32>
        %select_n3A = arith.select %gt3A_370, %mul3A_368, %broadcast_in_dim3A_364 : vector<16xi1>, vector<16xf32>
        %add3A_378 = arith.addf %scan3A_327, %select_n3A : vector<16xf32>
        %select_n3A_379 = arith.select %gt3A_370, %broadcast_in_dim3A_366, %broadcast_in_dim3A_364 : vector<16xi1>, vector<16xf32>
        %add3A_380 = arith.addf %scan3A_328, %select_n3A_379 : vector<16xf32>
        %add3A_381 = arith.addf %scan3A_329, %mul3A_373 : vector<16xf32>
        %select_n3A_382 = arith.select %gt3A_376, %mul3A_373, %broadcast_in_dim3A_364 : vector<16xi1>, vector<16xf32>
        %add3A_383 = arith.addf %scan3A_330, %select_n3A_382 : vector<16xf32>
        %select_n3A_384 = arith.select %gt3A_376, %broadcast_in_dim3A_366, %broadcast_in_dim3A_364 : vector<16xi1>, vector<16xf32>
        %add3A_385 = arith.addf %scan3A_331, %select_n3A_384 : vector<16xf32>
        scf.yield %add3A_377, %add3A_378, %add3A_380, %add3A_381, %add3A_383, %add3A_385 : vector<16xf32>, vector<16xf32>, vector<16xf32>, vector<16xf32>, vector<16xf32>, vector<16xf32>
      }
      %scan3A_324 = arith.constant 24 : i32
      scf.yield %scan3A_323#0, %scan3A_323#1, %scan3A_323#2, %scan3A_323#3, %scan3A_323#4, %scan3A_323#5 : vector<16xf32>, vector<16xf32>, vector<16xf32>, vector<16xf32>, vector<16xf32>, vector<16xf32>
    }
    %scan3A_276 = arith.constant 16 : i32
    %swap3A = arith.constant 0 : i32
    %swap3A_277 = arith.index_cast %swap3A : i32 to index
    %swap3A_278 = arith.constant 0 : index
    %swap3A_279 = tpu.vector_load %arg13[%swap3A_277, %swap3A_278] {strides = array<i32>} : memref<6x16xf32, #tpu.memory_space<vmem>>, vector<1x16xf32>,
    %swap3A_280 = vector.shape_cast %swap3A_279 : vector<1x16xf32> to vector<16xf32>
    %swap3A_281 = vector.shape_cast %scan3A_275#0 : vector<16xf32> to vector<1x16xf32>
    tpu.vector_store %arg13[%swap3A_277, %swap3A_278], %swap3A_281 {strides = array<i32>} : memref<6x16xf32, #tpu.memory_space<vmem>>, vector<1x16xf32>,
    %swap3A_282 = arith.constant 1 : i32
    %swap3A_283 = arith.index_cast %swap3A_282 : i32 to index
    %swap3A_284 = arith.constant 0 : index
    %swap3A_285 = tpu.vector_load %arg13[%swap3A_283, %swap3A_284] {strides = array<i32>} : memref<6x16xf32, #tpu.memory_space<vmem>>, vector<1x16xf32>,
    %swap3A_286 = vector.shape_cast %swap3A_285 : vector<1x16xf32> to vector<16xf32>
    %swap3A_287 = vector.shape_cast %scan3A_275#1 : vector<16xf32> to vector<1x16xf32>
    tpu.vector_store %arg13[%swap3A_283, %swap3A_284], %swap3A_287 {strides = array<i32>} : memref<6x16xf32, #tpu.memory_space<vmem>>, vector<1x16xf32>,
    %swap3A_288 = arith.constant 2 : i32
    %swap3A_289 = arith.index_cast %swap3A_288 : i32 to index
    %swap3A_290 = arith.constant 0 : index
    %swap3A_291 = tpu.vector_load %arg13[%swap3A_289, %swap3A_290] {strides = array<i32>} : memref<6x16xf32, #tpu.memory_space<vmem>>, vector<1x16xf32>,
    %swap3A_292 = vector.shape_cast %swap3A_291 : vector<1x16xf32> to vector<16xf32>
    %swap3A_293 = vector.shape_cast %scan3A_275#2 : vector<16xf32> to vector<1x16xf32>
    tpu.vector_store %arg13[%swap3A_289, %swap3A_290], %swap3A_293 {strides = array<i32>} : memref<6x16xf32, #tpu.memory_space<vmem>>, vector<1x16xf32>,
    %swap3A_294 = arith.constant 3 : i32
    %swap3A_295 = arith.index_cast %swap3A_294 : i32 to index
    %swap3A_296 = arith.constant 0 : index
    %swap3A_297 = tpu.vector_load %arg13[%swap3A_295, %swap3A_296] {strides = array<i32>} : memref<6x16xf32, #tpu.memory_space<vmem>>, vector<1x16xf32>,
    %swap3A_298 = vector.shape_cast %swap3A_297 : vector<1x16xf32> to vector<16xf32>
    %swap3A_299 = vector.shape_cast %scan3A_275#3 : vector<16xf32> to vector<1x16xf32>
    tpu.vector_store %arg13[%swap3A_295, %swap3A_296], %swap3A_299 {strides = array<i32>} : memref<6x16xf32, #tpu.memory_space<vmem>>, vector<1x16xf32>,
    %swap3A_300 = arith.constant 4 : i32
    %swap3A_301 = arith.index_cast %swap3A_300 : i32 to index
    %swap3A_302 = arith.constant 0 : index
    %swap3A_303 = tpu.vector_load %arg13[%swap3A_301, %swap3A_302] {strides = array<i32>} : memref<6x16xf32, #tpu.memory_space<vmem>>, vector<1x16xf32>,
    %swap3A_304 = vector.shape_cast %swap3A_303 : vector<1x16xf32> to vector<16xf32>
    %swap3A_305 = vector.shape_cast %scan3A_275#4 : vector<16xf32> to vector<1x16xf32>
    tpu.vector_store %arg13[%swap3A_301, %swap3A_302], %swap3A_305 {strides = array<i32>} : memref<6x16xf32, #tpu.memory_space<vmem>>, vector<1x16xf32>,
    %swap3A_306 = arith.constant 5 : i32
    %swap3A_307 = arith.index_cast %swap3A_306 : i32 to index
    %swap3A_308 = arith.constant 0 : index
    %swap3A_309 = tpu.vector_load %arg13[%swap3A_307, %swap3A_308] {strides = array<i32>} : memref<6x16xf32, #tpu.memory_space<vmem>>, vector<1x16xf32>,
    %swap3A_310 = vector.shape_cast %swap3A_309 : vector<1x16xf32> to vector<16xf32>
    %swap3A_311 = vector.shape_cast %scan3A_275#5 : vector<16xf32> to vector<1x16xf32>
    tpu.vector_store %arg13[%swap3A_307, %swap3A_308], %swap3A_311 {strides = array<i32>} : memref<6x16xf32, #tpu.memory_space<vmem>>, vector<1x16xf32>,
    "tpu.region"() ({
      %run_scoped3A = tpu.sem_alloc : memref<!tpu.dma_semaphore, #tpu.memory_space<semaphore_mem>>
      %dma_start3A_312 = arith.constant 0 : i32
      %dma_start3A_313 = arith.constant 0 : i32
      %dma_start3A_314 = tpu.memref_slice %arg7[%add3A, %dma_start3A_312, %dma_start3A_313] : memref<32x6x16xf32, #tpu.memory_space<hbm>> -> memref<1x6x16xf32, #tpu.memory_space<hbm>>
      %dma_start3A_315 = tpu.memref_squeeze %dma_start3A_314 : memref<1x6x16xf32, #tpu.memory_space<hbm>> -> memref<6x16xf32, #tpu.memory_space<hbm>>
      %dma_start3A_316 = arith.constant 0 : i32
      %dma_start3A_317 = arith.constant 0 : i32
      %dma_start3A_318 = tpu.memref_slice %arg7[%add3A, %dma_start3A_316, %dma_start3A_317] : memref<32x6x16xf32, #tpu.memory_space<hbm>> -> memref<1x6x16xf32, #tpu.memory_space<hbm>>
      %dma_start3A_319 = tpu.memref_squeeze %dma_start3A_318 : memref<1x6x16xf32, #tpu.memory_space<hbm>> -> memref<6x16xf32, #tpu.memory_space<hbm>>
      tpu.enqueue_dma source(%arg13 : memref<6x16xf32, #tpu.memory_space<vmem>>) target(%dma_start3A_319 : memref<6x16xf32, #tpu.memory_space<hbm>>) target_semaphore(%run_scoped3A : memref<!tpu.dma_semaphore, #tpu.memory_space<semaphore_mem>>)
      %dma_wait3A_320 = arith.constant 0 : i32
      %dma_wait3A_321 = arith.constant 0 : i32
      %dma_wait3A_322 = tpu.memref_slice %arg7[%add3A, %dma_wait3A_320, %dma_wait3A_321] : memref<32x6x16xf32, #tpu.memory_space<hbm>> -> memref<1x6x16xf32, #tpu.memory_space<hbm>>
      %dma_wait3A_323 = tpu.memref_squeeze %dma_wait3A_322 : memref<1x6x16xf32, #tpu.memory_space<hbm>> -> memref<6x16xf32, #tpu.memory_space<hbm>>
      %dma_wait3A_324 = arith.constant 0 : i32
      %dma_wait3A_325 = arith.constant 0 : i32
      %dma_wait3A_326 = tpu.memref_slice %arg7[%add3A, %dma_wait3A_324, %dma_wait3A_325] : memref<32x6x16xf32, #tpu.memory_space<hbm>> -> memref<1x6x16xf32, #tpu.memory_space<hbm>>
      %dma_wait3A_327 = tpu.memref_squeeze %dma_wait3A_326 : memref<1x6x16xf32, #tpu.memory_space<hbm>> -> memref<6x16xf32, #tpu.memory_space<hbm>>
      tpu.wait_dma2 semaphore(%run_scoped3A : memref<!tpu.dma_semaphore, #tpu.memory_space<semaphore_mem>>) src(%arg13 : memref<6x16xf32, #tpu.memory_space<vmem>>) dst(%dma_wait3A_327 : memref<6x16xf32, #tpu.memory_space<hbm>>)
      tpu.yield
    }) : () -> ()
    return
  }
}

module attributes {stable_mosaic.version = 14 : i64} {
  func.func @kern(%arg0: memref<1xf32, #tpu.memory_space<smem>>, %arg1: memref<9x128x1024xf32, #tpu.memory_space<vmem>>, %arg2: memref<9x128x1024xf32, #tpu.memory_space<vmem>>, %arg3: memref<9x128x1024xf32, #tpu.memory_space<vmem>>, %arg4: memref<1xf32, #tpu.memory_space<smem>>, %arg5: memref<9x128x1024xf32, #tpu.memory_space<vmem>>) attributes {dimension_semantics = [], scalar_prefetch = 0 : i64, scratch_operands = 1 : i64, tpu.core_type = #tpu.core_type<tc>} {
    %get3A = arith.constant 0 : index
    %get3A_0 = arith.constant 0 : index
    %get3A_1 = arith.constant 0 : index
    %get3A_2 = vector.load %arg1[%get3A, %get3A_0, %get3A_1] : memref<9x128x1024xf32, #tpu.memory_space<vmem>>, vector<1x128x1024xf32>
    %get3A_3 = vector.shape_cast %get3A_2 : vector<1x128x1024xf32> to vector<128x1024xf32>
    %get3A_4 = arith.constant 0 : index
    %get3A_5 = arith.constant 0 : index
    %get3A_6 = arith.constant 0 : index
    %get3A_7 = vector.load %arg2[%get3A_4, %get3A_5, %get3A_6] : memref<9x128x1024xf32, #tpu.memory_space<vmem>>, vector<1x128x1024xf32>
    %get3A_8 = vector.shape_cast %get3A_7 : vector<1x128x1024xf32> to vector<128x1024xf32>
    %sub3A = arith.subf %get3A_3, %get3A_8 : vector<128x1024xf32>
    %mul3A = arith.mulf %sub3A, %sub3A : vector<128x1024xf32>
    %get3A_9 = arith.constant 0 : index
    %get3A_10 = arith.constant 0 : index
    %get3A_11 = arith.constant 0 : index
    %get3A_12 = vector.load %arg3[%get3A_9, %get3A_10, %get3A_11] : memref<9x128x1024xf32, #tpu.memory_space<vmem>>, vector<1x128x1024xf32>
    %get3A_13 = vector.shape_cast %get3A_12 : vector<1x128x1024xf32> to vector<128x1024xf32>
    %mul3A_14 = arith.mulf %mul3A, %get3A_13 : vector<128x1024xf32>
    %gt3A = arith.constant 0.699999988 : f32
    %gt3A_15 = vector.broadcast %gt3A : f32 to vector<128x1024xf32>
    %gt3A_16 = arith.cmpf ogt, %get3A_3, %gt3A_15 : vector<128x1024xf32>
    %jit3A = arith.constant 0.000000e+00 : f32
    %broadcast_in_dim3A = vector.broadcast %jit3A : f32 to vector<128x1024xf32>
    %select_n3A = arith.select %gt3A_16, %broadcast_in_dim3A, %mul3A_14 : vector<128x1024xi1>, vector<128x1024xf32>
    %swap3A = arith.constant 0 : index
    %swap3A_17 = arith.constant 0 : index
    %swap3A_18 = arith.constant 0 : index
    %swap3A_19 = vector.load %arg5[%swap3A, %swap3A_17, %swap3A_18] : memref<9x128x1024xf32, #tpu.memory_space<vmem>>, vector<1x128x1024xf32>
    %swap3A_20 = vector.shape_cast %swap3A_19 : vector<1x128x1024xf32> to vector<128x1024xf32>
    %swap3A_21 = vector.shape_cast %select_n3A : vector<128x1024xf32> to vector<1x128x1024xf32>
    tpu.vector_store %arg5[%swap3A, %swap3A_17, %swap3A_18], %swap3A_21 {strides = array<i32>} : memref<9x128x1024xf32, #tpu.memory_space<vmem>>, vector<1x128x1024xf32>,
    %get3A_22 = arith.constant 1 : index
    %get3A_23 = arith.constant 0 : index
    %get3A_24 = arith.constant 0 : index
    %get3A_25 = vector.load %arg1[%get3A_22, %get3A_23, %get3A_24] : memref<9x128x1024xf32, #tpu.memory_space<vmem>>, vector<1x128x1024xf32>
    %get3A_26 = vector.shape_cast %get3A_25 : vector<1x128x1024xf32> to vector<128x1024xf32>
    %get3A_27 = arith.constant 1 : index
    %get3A_28 = arith.constant 0 : index
    %get3A_29 = arith.constant 0 : index
    %get3A_30 = vector.load %arg2[%get3A_27, %get3A_28, %get3A_29] : memref<9x128x1024xf32, #tpu.memory_space<vmem>>, vector<1x128x1024xf32>
    %get3A_31 = vector.shape_cast %get3A_30 : vector<1x128x1024xf32> to vector<128x1024xf32>
    %sub3A_32 = arith.subf %get3A_26, %get3A_31 : vector<128x1024xf32>
    %mul3A_33 = arith.mulf %sub3A_32, %sub3A_32 : vector<128x1024xf32>
    %get3A_34 = arith.constant 1 : index
    %get3A_35 = arith.constant 0 : index
    %get3A_36 = arith.constant 0 : index
    %get3A_37 = vector.load %arg3[%get3A_34, %get3A_35, %get3A_36] : memref<9x128x1024xf32, #tpu.memory_space<vmem>>, vector<1x128x1024xf32>
    %get3A_38 = vector.shape_cast %get3A_37 : vector<1x128x1024xf32> to vector<128x1024xf32>
    %mul3A_39 = arith.mulf %mul3A_33, %get3A_38 : vector<128x1024xf32>
    %gt3A_40 = arith.constant 0.699999988 : f32
    %gt3A_41 = vector.broadcast %gt3A_40 : f32 to vector<128x1024xf32>
    %gt3A_42 = arith.cmpf ogt, %get3A_26, %gt3A_41 : vector<128x1024xf32>
    %jit3A_43 = arith.constant 0.000000e+00 : f32
    %broadcast_in_dim3A_44 = vector.broadcast %jit3A_43 : f32 to vector<128x1024xf32>
    %select_n3A_45 = arith.select %gt3A_42, %broadcast_in_dim3A_44, %mul3A_39 : vector<128x1024xi1>, vector<128x1024xf32>
    %swap3A_46 = arith.constant 1 : index
    %swap3A_47 = arith.constant 0 : index
    %swap3A_48 = arith.constant 0 : index
    %swap3A_49 = vector.load %arg5[%swap3A_46, %swap3A_47, %swap3A_48] : memref<9x128x1024xf32, #tpu.memory_space<vmem>>, vector<1x128x1024xf32>
    %swap3A_50 = vector.shape_cast %swap3A_49 : vector<1x128x1024xf32> to vector<128x1024xf32>
    %swap3A_51 = vector.shape_cast %select_n3A_45 : vector<128x1024xf32> to vector<1x128x1024xf32>
    tpu.vector_store %arg5[%swap3A_46, %swap3A_47, %swap3A_48], %swap3A_51 {strides = array<i32>} : memref<9x128x1024xf32, #tpu.memory_space<vmem>>, vector<1x128x1024xf32>,
    %get3A_52 = arith.constant 2 : index
    %get3A_53 = arith.constant 0 : index
    %get3A_54 = arith.constant 0 : index
    %get3A_55 = vector.load %arg1[%get3A_52, %get3A_53, %get3A_54] : memref<9x128x1024xf32, #tpu.memory_space<vmem>>, vector<1x128x1024xf32>
    %get3A_56 = vector.shape_cast %get3A_55 : vector<1x128x1024xf32> to vector<128x1024xf32>
    %get3A_57 = arith.constant 2 : index
    %get3A_58 = arith.constant 0 : index
    %get3A_59 = arith.constant 0 : index
    %get3A_60 = vector.load %arg2[%get3A_57, %get3A_58, %get3A_59] : memref<9x128x1024xf32, #tpu.memory_space<vmem>>, vector<1x128x1024xf32>
    %get3A_61 = vector.shape_cast %get3A_60 : vector<1x128x1024xf32> to vector<128x1024xf32>
    %sub3A_62 = arith.subf %get3A_56, %get3A_61 : vector<128x1024xf32>
    %mul3A_63 = arith.mulf %sub3A_62, %sub3A_62 : vector<128x1024xf32>
    %get3A_64 = arith.constant 2 : index
    %get3A_65 = arith.constant 0 : index
    %get3A_66 = arith.constant 0 : index
    %get3A_67 = vector.load %arg3[%get3A_64, %get3A_65, %get3A_66] : memref<9x128x1024xf32, #tpu.memory_space<vmem>>, vector<1x128x1024xf32>
    %get3A_68 = vector.shape_cast %get3A_67 : vector<1x128x1024xf32> to vector<128x1024xf32>
    %mul3A_69 = arith.mulf %mul3A_63, %get3A_68 : vector<128x1024xf32>
    %gt3A_70 = arith.constant 0.699999988 : f32
    %gt3A_71 = vector.broadcast %gt3A_70 : f32 to vector<128x1024xf32>
    %gt3A_72 = arith.cmpf ogt, %get3A_56, %gt3A_71 : vector<128x1024xf32>
    %jit3A_73 = arith.constant 0.000000e+00 : f32
    %broadcast_in_dim3A_74 = vector.broadcast %jit3A_73 : f32 to vector<128x1024xf32>
    %select_n3A_75 = arith.select %gt3A_72, %broadcast_in_dim3A_74, %mul3A_69 : vector<128x1024xi1>, vector<128x1024xf32>
    %swap3A_76 = arith.constant 2 : index
    %swap3A_77 = arith.constant 0 : index
    %swap3A_78 = arith.constant 0 : index
    %swap3A_79 = vector.load %arg5[%swap3A_76, %swap3A_77, %swap3A_78] : memref<9x128x1024xf32, #tpu.memory_space<vmem>>, vector<1x128x1024xf32>
    %swap3A_80 = vector.shape_cast %swap3A_79 : vector<1x128x1024xf32> to vector<128x1024xf32>
    %swap3A_81 = vector.shape_cast %select_n3A_75 : vector<128x1024xf32> to vector<1x128x1024xf32>
    tpu.vector_store %arg5[%swap3A_76, %swap3A_77, %swap3A_78], %swap3A_81 {strides = array<i32>} : memref<9x128x1024xf32, #tpu.memory_space<vmem>>, vector<1x128x1024xf32>,
    %get3A_82 = arith.constant 3 : index
    %get3A_83 = arith.constant 0 : index
    %get3A_84 = arith.constant 0 : index
    %get3A_85 = vector.load %arg1[%get3A_82, %get3A_83, %get3A_84] : memref<9x128x1024xf32, #tpu.memory_space<vmem>>, vector<1x128x1024xf32>
    %get3A_86 = vector.shape_cast %get3A_85 : vector<1x128x1024xf32> to vector<128x1024xf32>
    %get3A_87 = arith.constant 3 : index
    %get3A_88 = arith.constant 0 : index
    %get3A_89 = arith.constant 0 : index
    %get3A_90 = vector.load %arg2[%get3A_87, %get3A_88, %get3A_89] : memref<9x128x1024xf32, #tpu.memory_space<vmem>>, vector<1x128x1024xf32>
    %get3A_91 = vector.shape_cast %get3A_90 : vector<1x128x1024xf32> to vector<128x1024xf32>
    %sub3A_92 = arith.subf %get3A_86, %get3A_91 : vector<128x1024xf32>
    %mul3A_93 = arith.mulf %sub3A_92, %sub3A_92 : vector<128x1024xf32>
    %get3A_94 = arith.constant 3 : index
    %get3A_95 = arith.constant 0 : index
    %get3A_96 = arith.constant 0 : index
    %get3A_97 = vector.load %arg3[%get3A_94, %get3A_95, %get3A_96] : memref<9x128x1024xf32, #tpu.memory_space<vmem>>, vector<1x128x1024xf32>
    %get3A_98 = vector.shape_cast %get3A_97 : vector<1x128x1024xf32> to vector<128x1024xf32>
    %mul3A_99 = arith.mulf %mul3A_93, %get3A_98 : vector<128x1024xf32>
    %gt3A_100 = arith.constant 0.699999988 : f32
    %gt3A_101 = vector.broadcast %gt3A_100 : f32 to vector<128x1024xf32>
    %gt3A_102 = arith.cmpf ogt, %get3A_86, %gt3A_101 : vector<128x1024xf32>
    %jit3A_103 = arith.constant 0.000000e+00 : f32
    %broadcast_in_dim3A_104 = vector.broadcast %jit3A_103 : f32 to vector<128x1024xf32>
    %select_n3A_105 = arith.select %gt3A_102, %broadcast_in_dim3A_104, %mul3A_99 : vector<128x1024xi1>, vector<128x1024xf32>
    %swap3A_106 = arith.constant 3 : index
    %swap3A_107 = arith.constant 0 : index
    %swap3A_108 = arith.constant 0 : index
    %swap3A_109 = vector.load %arg5[%swap3A_106, %swap3A_107, %swap3A_108] : memref<9x128x1024xf32, #tpu.memory_space<vmem>>, vector<1x128x1024xf32>
    %swap3A_110 = vector.shape_cast %swap3A_109 : vector<1x128x1024xf32> to vector<128x1024xf32>
    %swap3A_111 = vector.shape_cast %select_n3A_105 : vector<128x1024xf32> to vector<1x128x1024xf32>
    tpu.vector_store %arg5[%swap3A_106, %swap3A_107, %swap3A_108], %swap3A_111 {strides = array<i32>} : memref<9x128x1024xf32, #tpu.memory_space<vmem>>, vector<1x128x1024xf32>,
    %get3A_112 = arith.constant 4 : index
    %get3A_113 = arith.constant 0 : index
    %get3A_114 = arith.constant 0 : index
    %get3A_115 = vector.load %arg1[%get3A_112, %get3A_113, %get3A_114] : memref<9x128x1024xf32, #tpu.memory_space<vmem>>, vector<1x128x1024xf32>
    %get3A_116 = vector.shape_cast %get3A_115 : vector<1x128x1024xf32> to vector<128x1024xf32>
    %get3A_117 = arith.constant 4 : index
    %get3A_118 = arith.constant 0 : index
    %get3A_119 = arith.constant 0 : index
    %get3A_120 = vector.load %arg2[%get3A_117, %get3A_118, %get3A_119] : memref<9x128x1024xf32, #tpu.memory_space<vmem>>, vector<1x128x1024xf32>
    %get3A_121 = vector.shape_cast %get3A_120 : vector<1x128x1024xf32> to vector<128x1024xf32>
    %sub3A_122 = arith.subf %get3A_116, %get3A_121 : vector<128x1024xf32>
    %mul3A_123 = arith.mulf %sub3A_122, %sub3A_122 : vector<128x1024xf32>
    %get3A_124 = arith.constant 4 : index
    %get3A_125 = arith.constant 0 : index
    %get3A_126 = arith.constant 0 : index
    %get3A_127 = vector.load %arg3[%get3A_124, %get3A_125, %get3A_126] : memref<9x128x1024xf32, #tpu.memory_space<vmem>>, vector<1x128x1024xf32>
    %get3A_128 = vector.shape_cast %get3A_127 : vector<1x128x1024xf32> to vector<128x1024xf32>
    %mul3A_129 = arith.mulf %mul3A_123, %get3A_128 : vector<128x1024xf32>
    %gt3A_130 = arith.constant 0.699999988 : f32
    %gt3A_131 = vector.broadcast %gt3A_130 : f32 to vector<128x1024xf32>
    %gt3A_132 = arith.cmpf ogt, %get3A_116, %gt3A_131 : vector<128x1024xf32>
    %jit3A_133 = arith.constant 0.000000e+00 : f32
    %broadcast_in_dim3A_134 = vector.broadcast %jit3A_133 : f32 to vector<128x1024xf32>
    %select_n3A_135 = arith.select %gt3A_132, %broadcast_in_dim3A_134, %mul3A_129 : vector<128x1024xi1>, vector<128x1024xf32>
    %swap3A_136 = arith.constant 4 : index
    %swap3A_137 = arith.constant 0 : index
    %swap3A_138 = arith.constant 0 : index
    %swap3A_139 = vector.load %arg5[%swap3A_136, %swap3A_137, %swap3A_138] : memref<9x128x1024xf32, #tpu.memory_space<vmem>>, vector<1x128x1024xf32>
    %swap3A_140 = vector.shape_cast %swap3A_139 : vector<1x128x1024xf32> to vector<128x1024xf32>
    %swap3A_141 = vector.shape_cast %select_n3A_135 : vector<128x1024xf32> to vector<1x128x1024xf32>
    tpu.vector_store %arg5[%swap3A_136, %swap3A_137, %swap3A_138], %swap3A_141 {strides = array<i32>} : memref<9x128x1024xf32, #tpu.memory_space<vmem>>, vector<1x128x1024xf32>,
    %get3A_142 = arith.constant 5 : index
    %get3A_143 = arith.constant 0 : index
    %get3A_144 = arith.constant 0 : index
    %get3A_145 = vector.load %arg1[%get3A_142, %get3A_143, %get3A_144] : memref<9x128x1024xf32, #tpu.memory_space<vmem>>, vector<1x128x1024xf32>
    %get3A_146 = vector.shape_cast %get3A_145 : vector<1x128x1024xf32> to vector<128x1024xf32>
    %get3A_147 = arith.constant 5 : index
    %get3A_148 = arith.constant 0 : index
    %get3A_149 = arith.constant 0 : index
    %get3A_150 = vector.load %arg2[%get3A_147, %get3A_148, %get3A_149] : memref<9x128x1024xf32, #tpu.memory_space<vmem>>, vector<1x128x1024xf32>
    %get3A_151 = vector.shape_cast %get3A_150 : vector<1x128x1024xf32> to vector<128x1024xf32>
    %sub3A_152 = arith.subf %get3A_146, %get3A_151 : vector<128x1024xf32>
    %mul3A_153 = arith.mulf %sub3A_152, %sub3A_152 : vector<128x1024xf32>
    %get3A_154 = arith.constant 5 : index
    %get3A_155 = arith.constant 0 : index
    %get3A_156 = arith.constant 0 : index
    %get3A_157 = vector.load %arg3[%get3A_154, %get3A_155, %get3A_156] : memref<9x128x1024xf32, #tpu.memory_space<vmem>>, vector<1x128x1024xf32>
    %get3A_158 = vector.shape_cast %get3A_157 : vector<1x128x1024xf32> to vector<128x1024xf32>
    %mul3A_159 = arith.mulf %mul3A_153, %get3A_158 : vector<128x1024xf32>
    %gt3A_160 = arith.constant 0.699999988 : f32
    %gt3A_161 = vector.broadcast %gt3A_160 : f32 to vector<128x1024xf32>
    %gt3A_162 = arith.cmpf ogt, %get3A_146, %gt3A_161 : vector<128x1024xf32>
    %jit3A_163 = arith.constant 0.000000e+00 : f32
    %broadcast_in_dim3A_164 = vector.broadcast %jit3A_163 : f32 to vector<128x1024xf32>
    %select_n3A_165 = arith.select %gt3A_162, %broadcast_in_dim3A_164, %mul3A_159 : vector<128x1024xi1>, vector<128x1024xf32>
    %swap3A_166 = arith.constant 5 : index
    %swap3A_167 = arith.constant 0 : index
    %swap3A_168 = arith.constant 0 : index
    %swap3A_169 = vector.load %arg5[%swap3A_166, %swap3A_167, %swap3A_168] : memref<9x128x1024xf32, #tpu.memory_space<vmem>>, vector<1x128x1024xf32>
    %swap3A_170 = vector.shape_cast %swap3A_169 : vector<1x128x1024xf32> to vector<128x1024xf32>
    %swap3A_171 = vector.shape_cast %select_n3A_165 : vector<128x1024xf32> to vector<1x128x1024xf32>
    tpu.vector_store %arg5[%swap3A_166, %swap3A_167, %swap3A_168], %swap3A_171 {strides = array<i32>} : memref<9x128x1024xf32, #tpu.memory_space<vmem>>, vector<1x128x1024xf32>,
    %get3A_172 = arith.constant 6 : index
    %get3A_173 = arith.constant 0 : index
    %get3A_174 = arith.constant 0 : index
    %get3A_175 = vector.load %arg1[%get3A_172, %get3A_173, %get3A_174] : memref<9x128x1024xf32, #tpu.memory_space<vmem>>, vector<1x128x1024xf32>
    %get3A_176 = vector.shape_cast %get3A_175 : vector<1x128x1024xf32> to vector<128x1024xf32>
    %get3A_177 = arith.constant 6 : index
    %get3A_178 = arith.constant 0 : index
    %get3A_179 = arith.constant 0 : index
    %get3A_180 = vector.load %arg2[%get3A_177, %get3A_178, %get3A_179] : memref<9x128x1024xf32, #tpu.memory_space<vmem>>, vector<1x128x1024xf32>
    %get3A_181 = vector.shape_cast %get3A_180 : vector<1x128x1024xf32> to vector<128x1024xf32>
    %sub3A_182 = arith.subf %get3A_176, %get3A_181 : vector<128x1024xf32>
    %mul3A_183 = arith.mulf %sub3A_182, %sub3A_182 : vector<128x1024xf32>
    %get3A_184 = arith.constant 6 : index
    %get3A_185 = arith.constant 0 : index
    %get3A_186 = arith.constant 0 : index
    %get3A_187 = vector.load %arg3[%get3A_184, %get3A_185, %get3A_186] : memref<9x128x1024xf32, #tpu.memory_space<vmem>>, vector<1x128x1024xf32>
    %get3A_188 = vector.shape_cast %get3A_187 : vector<1x128x1024xf32> to vector<128x1024xf32>
    %mul3A_189 = arith.mulf %mul3A_183, %get3A_188 : vector<128x1024xf32>
    %gt3A_190 = arith.constant 0.699999988 : f32
    %gt3A_191 = vector.broadcast %gt3A_190 : f32 to vector<128x1024xf32>
    %gt3A_192 = arith.cmpf ogt, %get3A_176, %gt3A_191 : vector<128x1024xf32>
    %jit3A_193 = arith.constant 0.000000e+00 : f32
    %broadcast_in_dim3A_194 = vector.broadcast %jit3A_193 : f32 to vector<128x1024xf32>
    %select_n3A_195 = arith.select %gt3A_192, %broadcast_in_dim3A_194, %mul3A_189 : vector<128x1024xi1>, vector<128x1024xf32>
    %swap3A_196 = arith.constant 6 : index
    %swap3A_197 = arith.constant 0 : index
    %swap3A_198 = arith.constant 0 : index
    %swap3A_199 = vector.load %arg5[%swap3A_196, %swap3A_197, %swap3A_198] : memref<9x128x1024xf32, #tpu.memory_space<vmem>>, vector<1x128x1024xf32>
    %swap3A_200 = vector.shape_cast %swap3A_199 : vector<1x128x1024xf32> to vector<128x1024xf32>
    %swap3A_201 = vector.shape_cast %select_n3A_195 : vector<128x1024xf32> to vector<1x128x1024xf32>
    tpu.vector_store %arg5[%swap3A_196, %swap3A_197, %swap3A_198], %swap3A_201 {strides = array<i32>} : memref<9x128x1024xf32, #tpu.memory_space<vmem>>, vector<1x128x1024xf32>,
    %get3A_202 = arith.constant 7 : index
    %get3A_203 = arith.constant 0 : index
    %get3A_204 = arith.constant 0 : index
    %get3A_205 = vector.load %arg1[%get3A_202, %get3A_203, %get3A_204] : memref<9x128x1024xf32, #tpu.memory_space<vmem>>, vector<1x128x1024xf32>
    %get3A_206 = vector.shape_cast %get3A_205 : vector<1x128x1024xf32> to vector<128x1024xf32>
    %get3A_207 = arith.constant 7 : index
    %get3A_208 = arith.constant 0 : index
    %get3A_209 = arith.constant 0 : index
    %get3A_210 = vector.load %arg2[%get3A_207, %get3A_208, %get3A_209] : memref<9x128x1024xf32, #tpu.memory_space<vmem>>, vector<1x128x1024xf32>
    %get3A_211 = vector.shape_cast %get3A_210 : vector<1x128x1024xf32> to vector<128x1024xf32>
    %sub3A_212 = arith.subf %get3A_206, %get3A_211 : vector<128x1024xf32>
    %mul3A_213 = arith.mulf %sub3A_212, %sub3A_212 : vector<128x1024xf32>
    %get3A_214 = arith.constant 7 : index
    %get3A_215 = arith.constant 0 : index
    %get3A_216 = arith.constant 0 : index
    %get3A_217 = vector.load %arg3[%get3A_214, %get3A_215, %get3A_216] : memref<9x128x1024xf32, #tpu.memory_space<vmem>>, vector<1x128x1024xf32>
    %get3A_218 = vector.shape_cast %get3A_217 : vector<1x128x1024xf32> to vector<128x1024xf32>
    %mul3A_219 = arith.mulf %mul3A_213, %get3A_218 : vector<128x1024xf32>
    %gt3A_220 = arith.constant 0.699999988 : f32
    %gt3A_221 = vector.broadcast %gt3A_220 : f32 to vector<128x1024xf32>
    %gt3A_222 = arith.cmpf ogt, %get3A_206, %gt3A_221 : vector<128x1024xf32>
    %jit3A_223 = arith.constant 0.000000e+00 : f32
    %broadcast_in_dim3A_224 = vector.broadcast %jit3A_223 : f32 to vector<128x1024xf32>
    %select_n3A_225 = arith.select %gt3A_222, %broadcast_in_dim3A_224, %mul3A_219 : vector<128x1024xi1>, vector<128x1024xf32>
    %swap3A_226 = arith.constant 7 : index
    %swap3A_227 = arith.constant 0 : index
    %swap3A_228 = arith.constant 0 : index
    %swap3A_229 = vector.load %arg5[%swap3A_226, %swap3A_227, %swap3A_228] : memref<9x128x1024xf32, #tpu.memory_space<vmem>>, vector<1x128x1024xf32>
    %swap3A_230 = vector.shape_cast %swap3A_229 : vector<1x128x1024xf32> to vector<128x1024xf32>
    %swap3A_231 = vector.shape_cast %select_n3A_225 : vector<128x1024xf32> to vector<1x128x1024xf32>
    tpu.vector_store %arg5[%swap3A_226, %swap3A_227, %swap3A_228], %swap3A_231 {strides = array<i32>} : memref<9x128x1024xf32, #tpu.memory_space<vmem>>, vector<1x128x1024xf32>,
    %get3A_232 = arith.constant 8 : index
    %get3A_233 = arith.constant 0 : index
    %get3A_234 = arith.constant 0 : index
    %get3A_235 = vector.load %arg1[%get3A_232, %get3A_233, %get3A_234] : memref<9x128x1024xf32, #tpu.memory_space<vmem>>, vector<1x128x1024xf32>
    %get3A_236 = vector.shape_cast %get3A_235 : vector<1x128x1024xf32> to vector<128x1024xf32>
    %get3A_237 = arith.constant 8 : index
    %get3A_238 = arith.constant 0 : index
    %get3A_239 = arith.constant 0 : index
    %get3A_240 = vector.load %arg2[%get3A_237, %get3A_238, %get3A_239] : memref<9x128x1024xf32, #tpu.memory_space<vmem>>, vector<1x128x1024xf32>
    %get3A_241 = vector.shape_cast %get3A_240 : vector<1x128x1024xf32> to vector<128x1024xf32>
    %sub3A_242 = arith.subf %get3A_236, %get3A_241 : vector<128x1024xf32>
    %mul3A_243 = arith.mulf %sub3A_242, %sub3A_242 : vector<128x1024xf32>
    %get3A_244 = arith.constant 8 : index
    %get3A_245 = arith.constant 0 : index
    %get3A_246 = arith.constant 0 : index
    %get3A_247 = vector.load %arg3[%get3A_244, %get3A_245, %get3A_246] : memref<9x128x1024xf32, #tpu.memory_space<vmem>>, vector<1x128x1024xf32>
    %get3A_248 = vector.shape_cast %get3A_247 : vector<1x128x1024xf32> to vector<128x1024xf32>
    %mul3A_249 = arith.mulf %mul3A_243, %get3A_248 : vector<128x1024xf32>
    %gt3A_250 = arith.constant 0.699999988 : f32
    %gt3A_251 = vector.broadcast %gt3A_250 : f32 to vector<128x1024xf32>
    %gt3A_252 = arith.cmpf ogt, %get3A_236, %gt3A_251 : vector<128x1024xf32>
    %jit3A_253 = arith.constant 0.000000e+00 : f32
    %broadcast_in_dim3A_254 = vector.broadcast %jit3A_253 : f32 to vector<128x1024xf32>
    %select_n3A_255 = arith.select %gt3A_252, %broadcast_in_dim3A_254, %mul3A_249 : vector<128x1024xi1>, vector<128x1024xf32>
    %swap3A_256 = arith.constant 8 : index
    %swap3A_257 = arith.constant 0 : index
    %swap3A_258 = arith.constant 0 : index
    %swap3A_259 = vector.load %arg5[%swap3A_256, %swap3A_257, %swap3A_258] : memref<9x128x1024xf32, #tpu.memory_space<vmem>>, vector<1x128x1024xf32>
    %swap3A_260 = vector.shape_cast %swap3A_259 : vector<1x128x1024xf32> to vector<128x1024xf32>
    %swap3A_261 = vector.shape_cast %select_n3A_255 : vector<128x1024xf32> to vector<1x128x1024xf32>
    tpu.vector_store %arg5[%swap3A_256, %swap3A_257, %swap3A_258], %swap3A_261 {strides = array<i32>} : memref<9x128x1024xf32, #tpu.memory_space<vmem>>, vector<1x128x1024xf32>,
    %get3A_262 = arith.constant 0 : index
    %get3A_263 = memref.load %arg0[%get3A_262] : memref<1xf32, #tpu.memory_space<smem>>
    %scan3A = arith.constant 0 : i32
    %scan3A_264 = arith.constant 1065353217 : i32
    %scan3A_265 = arith.constant 0 : i32
    %scan3A_266 = arith.constant 31 : i32
    %scan3A_267 = arith.addi %scan3A_265, %scan3A_266 : i32
    %scan3A_268 = arith.constant 1 : i32
    %scan3A_269:2 = scf.for %scan3A_286 = %scan3A_265 to %scan3A_267 step %scan3A_268 iter_args(%scan3A_287 = %scan3A, %scan3A_288 = %scan3A_264) -> (i32, i32)  : i32 {
      %add3A_289 = arith.addi %scan3A_287, %scan3A_288 : i32
      %jit3A_290 = arith.constant 2 : i32
      %div3A = arith.divsi %add3A_289, %jit3A_290 : i32
      %sign3A = arith.constant 0 : i32
      %sign3A_291 = arith.cmpi sgt, %add3A_289, %sign3A : i32
      %sign3A_292 = arith.extui %sign3A_291 : i1 to i32
      %sign3A_293 = arith.constant 0 : i32
      %sign3A_294 = arith.cmpi slt, %add3A_289, %sign3A_293 : i32
      %sign3A_295 = arith.extui %sign3A_294 : i1 to i32
      %sign3A_296 = arith.subi %sign3A_292, %sign3A_295 : i32
      %sign3A_297 = arith.constant 0 : i32
      %sign3A_298 = arith.cmpi sgt, %jit3A_290, %sign3A_297 : i32
      %sign3A_299 = arith.extui %sign3A_298 : i1 to i32
      %sign3A_300 = arith.constant 0 : i32
      %sign3A_301 = arith.cmpi slt, %jit3A_290, %sign3A_300 : i32
      %sign3A_302 = arith.extui %sign3A_301 : i1 to i32
      %sign3A_303 = arith.subi %sign3A_299, %sign3A_302 : i32
      %ne3A = arith.cmpi ne, %sign3A_296, %sign3A_303 : i32
      %rem3A = arith.remsi %add3A_289, %jit3A_290 : i32
      %ne3A_304 = arith.constant 0 : i32
      %ne3A_305 = arith.cmpi ne, %rem3A, %ne3A_304 : i32
      %and3A = arith.andi %ne3A, %ne3A_305 : i1
      %sub3A_306 = arith.constant 1 : i32
      %sub3A_307 = arith.subi %div3A, %sub3A_306 : i32
      %select_n3A_308 = arith.select %and3A, %sub3A_307, %div3A : i32
      %bitcast_convert_type3A_309 = arith.bitcast %select_n3A_308 : i32 to f32
      %scan3A_310 = arith.constant 0.000000e+00 : f32
      %scan3A_311 = arith.constant 0 : i32
      %scan3A_312 = arith.constant 9 : i32
      %scan3A_313 = arith.addi %scan3A_311, %scan3A_312 : i32
      %scan3A_314 = arith.constant 1 : i32
      %scan3A_315 = scf.for %scan3A_319 = %scan3A_311 to %scan3A_313 step %scan3A_314 iter_args(%scan3A_320 = %scan3A_310) -> (f32)  : i32 {
        %get3A_321 = arith.index_cast %scan3A_319 : i32 to index
        %get3A_322 = arith.constant 0 : index
        %get3A_323 = arith.constant 0 : index
        %get3A_324 = vector.load %arg5[%get3A_321, %get3A_322, %get3A_323] : memref<9x128x1024xf32, #tpu.memory_space<vmem>>, vector<1x128x1024xf32>
        %get3A_325 = vector.shape_cast %get3A_324 : vector<1x128x1024xf32> to vector<128x1024xf32>
        %ge3A_326 = vector.broadcast %bitcast_convert_type3A_309 : f32 to vector<128x1024xf32>
        %ge3A_327 = arith.cmpf oge, %get3A_325, %ge3A_326 : vector<128x1024xf32>
        %convert_element_type3A = arith.extui %ge3A_327 : vector<128x1024xi1> to vector<128x1024xi32>
        %convert_element_type3A_328 = arith.sitofp %convert_element_type3A : vector<128x1024xi32> to vector<128x1024xf32>
        %reduce_sum3A = vector.shape_cast %convert_element_type3A_328 : vector<128x1024xf32> to vector<1x128x1024xf32>
        %reduce_sum3A_329 = arith.constant dense<0.000000e+00> : vector<1xf32>
        %reduce_sum3A_330 = vector.multi_reduction <add>, %reduce_sum3A, %reduce_sum3A_329 [1, 2] : vector<1x128x1024xf32> to vector<1xf32>
        %reduce_sum3A_331 = vector.shape_cast %reduce_sum3A_330 : vector<1xf32> to vector<1x1x1xf32>
        %reduce_sum3A_332 = vector.extract %reduce_sum3A_331[0, 0, 0] : f32 from vector<1x1x1xf32>
        %add3A_333 = arith.addf %scan3A_320, %reduce_sum3A_332 : f32
        scf.yield %add3A_333 : f32
      }
      %scan3A_316 = arith.constant 9 : i32
      %ge3A = arith.cmpf oge, %scan3A_315, %get3A_263 : f32
      %select_n3A_317 = arith.select %ge3A, %select_n3A_308, %scan3A_287 : i32
      %select_n3A_318 = arith.select %ge3A, %scan3A_288, %select_n3A_308 : i32
      scf.yield %select_n3A_317, %select_n3A_318 : i32, i32
    }
    %bitcast_convert_type3A = arith.bitcast %scan3A_269#0 : i32 to f32
    %scan3A_270 = arith.constant 0.000000e+00 : f32
    %scan3A_271 = arith.constant 0.000000e+00 : f32
    %scan3A_272 = arith.constant 0 : i32
    %scan3A_273 = arith.constant 9 : i32
    %scan3A_274 = arith.addi %scan3A_272, %scan3A_273 : i32
    %scan3A_275 = arith.constant 1 : i32
    %scan3A_276:2 = scf.for %scan3A_286 = %scan3A_272 to %scan3A_274 step %scan3A_275 iter_args(%scan3A_287 = %scan3A_270, %scan3A_288 = %scan3A_271) -> (f32, f32)  : i32 {
      %get3A_289 = arith.index_cast %scan3A_286 : i32 to index
      %get3A_290 = arith.constant 0 : index
      %get3A_291 = arith.constant 0 : index
      %get3A_292 = vector.load %arg5[%get3A_289, %get3A_290, %get3A_291] : memref<9x128x1024xf32, #tpu.memory_space<vmem>>, vector<1x128x1024xf32>
      %get3A_293 = vector.shape_cast %get3A_292 : vector<1x128x1024xf32> to vector<128x1024xf32>
      %gt3A_294 = vector.broadcast %bitcast_convert_type3A : f32 to vector<128x1024xf32>
      %gt3A_295 = arith.cmpf ogt, %get3A_293, %gt3A_294 : vector<128x1024xf32>
      %jit3A_296 = arith.constant 0.000000e+00 : f32
      %broadcast_in_dim3A_297 = vector.broadcast %jit3A_296 : f32 to vector<128x1024xf32>
      %select_n3A_298 = arith.select %gt3A_295, %get3A_293, %broadcast_in_dim3A_297 : vector<128x1024xi1>, vector<128x1024xf32>
      %reduce_sum3A = vector.shape_cast %select_n3A_298 : vector<128x1024xf32> to vector<1x128x1024xf32>
      %reduce_sum3A_299 = arith.constant dense<0.000000e+00> : vector<1xf32>
      %reduce_sum3A_300 = vector.multi_reduction <add>, %reduce_sum3A, %reduce_sum3A_299 [1, 2] : vector<1x128x1024xf32> to vector<1xf32>
      %reduce_sum3A_301 = vector.shape_cast %reduce_sum3A_300 : vector<1xf32> to vector<1x1x1xf32>
      %reduce_sum3A_302 = vector.extract %reduce_sum3A_301[0, 0, 0] : f32 from vector<1x1x1xf32>
      %add3A_303 = arith.addf %scan3A_287, %reduce_sum3A_302 : f32
      %convert_element_type3A = arith.extui %gt3A_295 : vector<128x1024xi1> to vector<128x1024xi32>
      %convert_element_type3A_304 = arith.sitofp %convert_element_type3A : vector<128x1024xi32> to vector<128x1024xf32>
      %reduce_sum3A_305 = vector.shape_cast %convert_element_type3A_304 : vector<128x1024xf32> to vector<1x128x1024xf32>
      %reduce_sum3A_306 = arith.constant dense<0.000000e+00> : vector<1xf32>
      %reduce_sum3A_307 = vector.multi_reduction <add>, %reduce_sum3A_305, %reduce_sum3A_306 [1, 2] : vector<1x128x1024xf32> to vector<1xf32>
      %reduce_sum3A_308 = vector.shape_cast %reduce_sum3A_307 : vector<1xf32> to vector<1x1x1xf32>
      %reduce_sum3A_309 = vector.extract %reduce_sum3A_308[0, 0, 0] : f32 from vector<1x1x1xf32>
      %add3A_310 = arith.addf %scan3A_288, %reduce_sum3A_309 : f32
      scf.yield %add3A_303, %add3A_310 : f32, f32
    }
    %scan3A_277 = arith.constant 9 : i32
    %gt3A_278 = arith.constant 0.000000e+00 : f32
    %gt3A_279 = arith.cmpf ogt, %get3A_263, %gt3A_278 : f32
    %sub3A_280 = arith.subf %get3A_263, %scan3A_276#1 : f32
    %mul3A_281 = arith.mulf %sub3A_280, %bitcast_convert_type3A : f32
    %add3A = arith.addf %scan3A_276#0, %mul3A_281 : f32
    %jit3A_282 = arith.constant 0.000000e+00 : f32
    %select_n3A_283 = arith.select %gt3A_279, %add3A, %jit3A_282 : f32
    %swap3A_284 = arith.constant 0 : index
    %swap3A_285 = memref.load %arg4[%swap3A_284] : memref<1xf32, #tpu.memory_space<smem>>
    memref.store %select_n3A_283, %arg4[%swap3A_284] : memref<1xf32, #tpu.memory_space<smem>>
    return
  }
}

module attributes {stable_mosaic.version = 14 : i64} {
  func.func @kern(%arg0: i32, %arg1: memref<256x384xf32, #tpu.memory_space<vmem>>, %arg2: memref<256x384xf32, #tpu.memory_space<vmem>>, %arg3: memref<256x384xf32, #tpu.memory_space<vmem>>, %arg4: memref<256x384xf32, #tpu.memory_space<vmem>>, %arg5: memref<256x384xf32, #tpu.memory_space<vmem>>, %arg6: memref<8xf32, #tpu.memory_space<smem>>) attributes {dimension_semantics = [#tpu.dimension_semantics<arbitrary>], iteration_bounds = array<i64: 8>, scalar_prefetch = 0 : i64, scratch_operands = 0 : i64, tpu.core_type = #tpu.core_type<tc>, window_params = [{transform_indices = @transform_0, window_bounds = array<i64: 256, 384>}, {transform_indices = @transform_1, window_bounds = array<i64: 256, 384>}, {transform_indices = @transform_2, window_bounds = array<i64: 256, 384>}, {transform_indices = @transform_3, window_bounds = array<i64: 256, 384>}, {transform_indices = @transform_4, window_bounds = array<i64: 256, 384>}, {transform_indices = @transform_5, window_bounds = array<i64: 8>}]} {
    %eq3A = arith.constant 0 : i32
    %eq3A_0 = arith.cmpi eq, %arg0, %eq3A : i32
    %convert_element_type3A = arith.extui %eq3A_0 : i1 to i32
    %cond3A = arith.constant 0 : i32
    %cond3A_1 = arith.cmpi ne, %convert_element_type3A, %cond3A : i32
    scf.if %cond3A_1 {
      %swap3A_89 = arith.constant 0.000000e+00 : f32
      %swap3A_90 = arith.constant 0 : index
      %swap3A_91 = memref.load %arg6[%swap3A_90] : memref<8xf32, #tpu.memory_space<smem>>
      memref.store %swap3A_89, %arg6[%swap3A_90] : memref<8xf32, #tpu.memory_space<smem>>
      %swap3A_92 = arith.constant 0.000000e+00 : f32
      %swap3A_93 = arith.constant 1 : index
      %swap3A_94 = memref.load %arg6[%swap3A_93] : memref<8xf32, #tpu.memory_space<smem>>
      memref.store %swap3A_92, %arg6[%swap3A_93] : memref<8xf32, #tpu.memory_space<smem>>
      %swap3A_95 = arith.constant 0.000000e+00 : f32
      %swap3A_96 = arith.constant 2 : index
      %swap3A_97 = memref.load %arg6[%swap3A_96] : memref<8xf32, #tpu.memory_space<smem>>
      memref.store %swap3A_95, %arg6[%swap3A_96] : memref<8xf32, #tpu.memory_space<smem>>
      %swap3A_98 = arith.constant 0.000000e+00 : f32
      %swap3A_99 = arith.constant 3 : index
      %swap3A_100 = memref.load %arg6[%swap3A_99] : memref<8xf32, #tpu.memory_space<smem>>
      memref.store %swap3A_98, %arg6[%swap3A_99] : memref<8xf32, #tpu.memory_space<smem>>
      %swap3A_101 = arith.constant 0.000000e+00 : f32
      %swap3A_102 = arith.constant 4 : index
      %swap3A_103 = memref.load %arg6[%swap3A_102] : memref<8xf32, #tpu.memory_space<smem>>
      memref.store %swap3A_101, %arg6[%swap3A_102] : memref<8xf32, #tpu.memory_space<smem>>
      %swap3A_104 = arith.constant 0.000000e+00 : f32
      %swap3A_105 = arith.constant 5 : index
      %swap3A_106 = memref.load %arg6[%swap3A_105] : memref<8xf32, #tpu.memory_space<smem>>
      memref.store %swap3A_104, %arg6[%swap3A_105] : memref<8xf32, #tpu.memory_space<smem>>
      %swap3A_107 = arith.constant 0.000000e+00 : f32
      %swap3A_108 = arith.constant 6 : index
      %swap3A_109 = memref.load %arg6[%swap3A_108] : memref<8xf32, #tpu.memory_space<smem>>
      memref.store %swap3A_107, %arg6[%swap3A_108] : memref<8xf32, #tpu.memory_space<smem>>
      %swap3A_110 = arith.constant 0.000000e+00 : f32
      %swap3A_111 = arith.constant 7 : index
      %swap3A_112 = memref.load %arg6[%swap3A_111] : memref<8xf32, #tpu.memory_space<smem>>
      memref.store %swap3A_110, %arg6[%swap3A_111] : memref<8xf32, #tpu.memory_space<smem>>
    } else {
    }
    %get3A = arith.constant 0 : index
    %get3A_2 = arith.constant 0 : index
    %get3A_3 = vector.load %arg1[%get3A, %get3A_2] : memref<256x384xf32, #tpu.memory_space<vmem>>, vector<256x384xf32>
    %get3A_4 = arith.constant 0 : index
    %get3A_5 = arith.constant 0 : index
    %get3A_6 = vector.load %arg2[%get3A_4, %get3A_5] : memref<256x384xf32, #tpu.memory_space<vmem>>, vector<256x384xf32>
    %get3A_7 = arith.constant 0 : index
    %get3A_8 = arith.constant 0 : index
    %get3A_9 = vector.load %arg3[%get3A_7, %get3A_8] : memref<256x384xf32, #tpu.memory_space<vmem>>, vector<256x384xf32>
    %get3A_10 = arith.constant 0 : index
    %get3A_11 = arith.constant 0 : index
    %get3A_12 = vector.load %arg4[%get3A_10, %get3A_11] : memref<256x384xf32, #tpu.memory_space<vmem>>, vector<256x384xf32>
    %get3A_13 = arith.constant 0 : index
    %get3A_14 = arith.constant 0 : index
    %get3A_15 = vector.load %arg5[%get3A_13, %get3A_14] : memref<256x384xf32, #tpu.memory_space<vmem>>, vector<256x384xf32>
    %sub3A = arith.subf %get3A_3, %get3A_6 : vector<256x384xf32>
    %mul3A = arith.mulf %sub3A, %sub3A : vector<256x384xf32>
    %mul3A_16 = arith.mulf %mul3A, %get3A_15 : vector<256x384xf32>
    %gt3A = arith.constant 0.699999988 : f32
    %gt3A_17 = vector.broadcast %gt3A : f32 to vector<256x384xf32>
    %gt3A_18 = arith.cmpf ogt, %get3A_3, %gt3A_17 : vector<256x384xf32>
    %sub3A_19 = arith.subf %get3A_9, %get3A_12 : vector<256x384xf32>
    %mul3A_20 = arith.mulf %sub3A_19, %sub3A_19 : vector<256x384xf32>
    %mul3A_21 = arith.mulf %mul3A_20, %get3A_15 : vector<256x384xf32>
    %gt3A_22 = arith.constant 0.699999988 : f32
    %gt3A_23 = vector.broadcast %gt3A_22 : f32 to vector<256x384xf32>
    %gt3A_24 = arith.cmpf ogt, %get3A_9, %gt3A_23 : vector<256x384xf32>
    %get3A_25 = arith.constant 0 : index
    %get3A_26 = memref.load %arg6[%get3A_25] : memref<8xf32, #tpu.memory_space<smem>>
    %reduce_sum3A = vector.shape_cast %mul3A_16 : vector<256x384xf32> to vector<1x256x384xf32>
    %reduce_sum3A_27 = arith.constant dense<0.000000e+00> : vector<1xf32>
    %reduce_sum3A_28 = vector.multi_reduction <add>, %reduce_sum3A, %reduce_sum3A_27 [1, 2] : vector<1x256x384xf32> to vector<1xf32>
    %reduce_sum3A_29 = vector.shape_cast %reduce_sum3A_28 : vector<1xf32> to vector<1x1x1xf32>
    %reduce_sum3A_30 = vector.extract %reduce_sum3A_29[0, 0, 0] : f32 from vector<1x1x1xf32>
    %add3A = arith.addf %get3A_26, %reduce_sum3A_30 : f32
    %swap3A = arith.constant 0 : index
    %swap3A_31 = memref.load %arg6[%swap3A] : memref<8xf32, #tpu.memory_space<smem>>
    memref.store %add3A, %arg6[%swap3A] : memref<8xf32, #tpu.memory_space<smem>>
    %get3A_32 = arith.constant 1 : index
    %get3A_33 = memref.load %arg6[%get3A_32] : memref<8xf32, #tpu.memory_space<smem>>
    %jit3A = arith.constant 0.000000e+00 : f32
    %broadcast_in_dim3A = vector.broadcast %jit3A : f32 to vector<256x384xf32>
    %select_n3A = arith.select %gt3A_18, %mul3A_16, %broadcast_in_dim3A : vector<256x384xi1>, vector<256x384xf32>
    %reduce_sum3A_34 = vector.shape_cast %select_n3A : vector<256x384xf32> to vector<1x256x384xf32>
    %reduce_sum3A_35 = arith.constant dense<0.000000e+00> : vector<1xf32>
    %reduce_sum3A_36 = vector.multi_reduction <add>, %reduce_sum3A_34, %reduce_sum3A_35 [1, 2] : vector<1x256x384xf32> to vector<1xf32>
    %reduce_sum3A_37 = vector.shape_cast %reduce_sum3A_36 : vector<1xf32> to vector<1x1x1xf32>
    %reduce_sum3A_38 = vector.extract %reduce_sum3A_37[0, 0, 0] : f32 from vector<1x1x1xf32>
    %add3A_39 = arith.addf %get3A_33, %reduce_sum3A_38 : f32
    %swap3A_40 = arith.constant 1 : index
    %swap3A_41 = memref.load %arg6[%swap3A_40] : memref<8xf32, #tpu.memory_space<smem>>
    memref.store %add3A_39, %arg6[%swap3A_40] : memref<8xf32, #tpu.memory_space<smem>>
    %get3A_42 = arith.constant 2 : index
    %get3A_43 = memref.load %arg6[%get3A_42] : memref<8xf32, #tpu.memory_space<smem>>
    %convert_element_type3A_44 = arith.extui %gt3A_18 : vector<256x384xi1> to vector<256x384xi32>
    %convert_element_type3A_45 = arith.sitofp %convert_element_type3A_44 : vector<256x384xi32> to vector<256x384xf32>
    %reduce_sum3A_46 = vector.shape_cast %convert_element_type3A_45 : vector<256x384xf32> to vector<1x256x384xf32>
    %reduce_sum3A_47 = arith.constant dense<0.000000e+00> : vector<1xf32>
    %reduce_sum3A_48 = vector.multi_reduction <add>, %reduce_sum3A_46, %reduce_sum3A_47 [1, 2] : vector<1x256x384xf32> to vector<1xf32>
    %reduce_sum3A_49 = vector.shape_cast %reduce_sum3A_48 : vector<1xf32> to vector<1x1x1xf32>
    %reduce_sum3A_50 = vector.extract %reduce_sum3A_49[0, 0, 0] : f32 from vector<1x1x1xf32>
    %add3A_51 = arith.addf %get3A_43, %reduce_sum3A_50 : f32
    %swap3A_52 = arith.constant 2 : index
    %swap3A_53 = memref.load %arg6[%swap3A_52] : memref<8xf32, #tpu.memory_space<smem>>
    memref.store %add3A_51, %arg6[%swap3A_52] : memref<8xf32, #tpu.memory_space<smem>>
    %get3A_54 = arith.constant 3 : index
    %get3A_55 = memref.load %arg6[%get3A_54] : memref<8xf32, #tpu.memory_space<smem>>
    %reduce_sum3A_56 = vector.shape_cast %mul3A_21 : vector<256x384xf32> to vector<1x256x384xf32>
    %reduce_sum3A_57 = arith.constant dense<0.000000e+00> : vector<1xf32>
    %reduce_sum3A_58 = vector.multi_reduction <add>, %reduce_sum3A_56, %reduce_sum3A_57 [1, 2] : vector<1x256x384xf32> to vector<1xf32>
    %reduce_sum3A_59 = vector.shape_cast %reduce_sum3A_58 : vector<1xf32> to vector<1x1x1xf32>
    %reduce_sum3A_60 = vector.extract %reduce_sum3A_59[0, 0, 0] : f32 from vector<1x1x1xf32>
    %add3A_61 = arith.addf %get3A_55, %reduce_sum3A_60 : f32
    %swap3A_62 = arith.constant 3 : index
    %swap3A_63 = memref.load %arg6[%swap3A_62] : memref<8xf32, #tpu.memory_space<smem>>
    memref.store %add3A_61, %arg6[%swap3A_62] : memref<8xf32, #tpu.memory_space<smem>>
    %get3A_64 = arith.constant 4 : index
    %get3A_65 = memref.load %arg6[%get3A_64] : memref<8xf32, #tpu.memory_space<smem>>
    %jit3A_66 = arith.constant 0.000000e+00 : f32
    %broadcast_in_dim3A_67 = vector.broadcast %jit3A_66 : f32 to vector<256x384xf32>
    %select_n3A_68 = arith.select %gt3A_24, %mul3A_21, %broadcast_in_dim3A_67 : vector<256x384xi1>, vector<256x384xf32>
    %reduce_sum3A_69 = vector.shape_cast %select_n3A_68 : vector<256x384xf32> to vector<1x256x384xf32>
    %reduce_sum3A_70 = arith.constant dense<0.000000e+00> : vector<1xf32>
    %reduce_sum3A_71 = vector.multi_reduction <add>, %reduce_sum3A_69, %reduce_sum3A_70 [1, 2] : vector<1x256x384xf32> to vector<1xf32>
    %reduce_sum3A_72 = vector.shape_cast %reduce_sum3A_71 : vector<1xf32> to vector<1x1x1xf32>
    %reduce_sum3A_73 = vector.extract %reduce_sum3A_72[0, 0, 0] : f32 from vector<1x1x1xf32>
    %add3A_74 = arith.addf %get3A_65, %reduce_sum3A_73 : f32
    %swap3A_75 = arith.constant 4 : index
    %swap3A_76 = memref.load %arg6[%swap3A_75] : memref<8xf32, #tpu.memory_space<smem>>
    memref.store %add3A_74, %arg6[%swap3A_75] : memref<8xf32, #tpu.memory_space<smem>>
    %get3A_77 = arith.constant 5 : index
    %get3A_78 = memref.load %arg6[%get3A_77] : memref<8xf32, #tpu.memory_space<smem>>
    %convert_element_type3A_79 = arith.extui %gt3A_24 : vector<256x384xi1> to vector<256x384xi32>
    %convert_element_type3A_80 = arith.sitofp %convert_element_type3A_79 : vector<256x384xi32> to vector<256x384xf32>
    %reduce_sum3A_81 = vector.shape_cast %convert_element_type3A_80 : vector<256x384xf32> to vector<1x256x384xf32>
    %reduce_sum3A_82 = arith.constant dense<0.000000e+00> : vector<1xf32>
    %reduce_sum3A_83 = vector.multi_reduction <add>, %reduce_sum3A_81, %reduce_sum3A_82 [1, 2] : vector<1x256x384xf32> to vector<1xf32>
    %reduce_sum3A_84 = vector.shape_cast %reduce_sum3A_83 : vector<1xf32> to vector<1x1x1xf32>
    %reduce_sum3A_85 = vector.extract %reduce_sum3A_84[0, 0, 0] : f32 from vector<1x1x1xf32>
    %add3A_86 = arith.addf %get3A_78, %reduce_sum3A_85 : f32
    %swap3A_87 = arith.constant 5 : index
    %swap3A_88 = memref.load %arg6[%swap3A_87] : memref<8xf32, #tpu.memory_space<smem>>
    memref.store %add3A_86, %arg6[%swap3A_87] : memref<8xf32, #tpu.memory_space<smem>>
    return
  }
  func.func @transform_0(%arg0: i32) -> (i32, i32) {
    %add3A = arith.constant 4 : i32
    %add3A_0 = arith.addi %arg0, %add3A : i32
    %c0_i32 = arith.constant 0 : i32
    %c0_i32_1 = arith.constant 0 : i32
    return %add3A_0, %c0_i32 : i32, i32
  }
  func.func @transform_1(%arg0: i32) -> (i32, i32) {
    %add3A = arith.constant 4 : i32
    %add3A_0 = arith.addi %arg0, %add3A : i32
    %c0_i32 = arith.constant 0 : i32
    %c0_i32_1 = arith.constant 0 : i32
    return %add3A_0, %c0_i32 : i32, i32
  }
  func.func @transform_2(%arg0: i32) -> (i32, i32) {
    %add3A = arith.constant 4 : i32
    %add3A_0 = arith.addi %arg0, %add3A : i32
    %c0_i32 = arith.constant 0 : i32
    %c0_i32_1 = arith.constant 0 : i32
    return %add3A_0, %c0_i32 : i32, i32
  }
  func.func @transform_3(%arg0: i32) -> (i32, i32) {
    %add3A = arith.constant 4 : i32
    %add3A_0 = arith.addi %arg0, %add3A : i32
    %c0_i32 = arith.constant 0 : i32
    %c0_i32_1 = arith.constant 0 : i32
    return %add3A_0, %c0_i32 : i32, i32
  }
  func.func @transform_4(%arg0: i32) -> (i32, i32) {
    %add3A = arith.constant 4 : i32
    %add3A_0 = arith.addi %arg0, %add3A : i32
    %c0_i32 = arith.constant 0 : i32
    %c0_i32_1 = arith.constant 0 : i32
    return %add3A_0, %c0_i32 : i32, i32
  }
  func.func @transform_5(%arg0: i32) -> i32 {
    %c0_i32 = arith.constant 0 : i32
    %c0_i32_0 = arith.constant 0 : i32
    return %c0_i32 : i32
  }
}

</mosaic_0001>

<sc_bundles>
// kernel: kernel.4.cloned.1.call-start
scs
__scs_entry_jumppad:
0x0: {  	(pc) =	sbr.rel $0x88, $3  }
0x1: {  	(tag) =	ssettag $0x0;
	lr =	simm.s32 $0x1  }
0x2: {  	[smem:$0x3F9C] =	sst lr;
	_ =	strace $0xD0000000  }
0x3: {  	_ = 	snop  }
0x4: {  	_ = 	snop  }
0x5: {  	_ = 	snop  }
0x6: {  	_ = 	snop  }
0x7: {  	_ = 	snop  }
__scs_overlays_trampoline_lowered:
0x8: {  	[smem:$0x3FAB] =	sst s0  }
0x9: {  	[smem:$0x3FAC] =	sst s1  }
0xa: {  	[smem:$0x3FAD] =	sst s2  }
0xb: {  	[smem:$0x3FAE] =	sst s3  }
0xc: {  	[smem:$0x3FAF] =	sst s4  }
0xd: {  	[smem:$0x3FB0] =	sst s5  }
0xe: {  	[smem:$0x3FB1] =	sst s6  }
0xf: {  	[smem:$0x3FB2] =	sst s7  }
0x10: {  	[smem:$0x3FB3] =	sst s8  }
0x11: {  	[smem:$0x3FB4] =	sst s9;
	s0 =	simm.s32 @!p0 $0x0  }
0x12: {  	s1 =	sld [smem:$0x3F9A];
	s0 =	simm.s32 @p0 $0x1  }
0x13: {  	[smem:$0x3FB5] =	sst s0;
	s0 =	simm.s32 @!p1 $0x0  }
0x14: {  	s2 =	sld [smem:$0x3F99];
	s0 =	simm.s32 @p1 $0x1  }
0x15: {  	[smem:$0x3FB6] =	sst s0;
	s0 =	simm.s32 @!p2 $0x0  }
0x16: {  	s3 =	sld [smem:$0x3FDB];
	s0 =	simm.s32 @p2 $0x1  }
0x17: {  	s4 =	simm.s32 $0x1BF5;
	[smem:$0x3FB8] =	sst s0  }
0x18: {  	s0 =	sld [smem:$0x3F9B];
	_ =	swait.ge [sflag:s4], $0x0  }
0x19: {  	s7 =	sld [smem:$0x3F9C]  }
0x1a: {  	s8 =	sadd.s32 $0xFFFFE003, lr  }
0x1b: {  	s9 =	sadd.s32 $0xFFFFFEF7, lr;
	s5 =	simm.s32 $0xFFFFFFFF;
	p2 =	slt.u32 s8, $0xFFFFF086  }
0x1c: {  	p1 =	slt.u32 s9, $0xF7A;
	s5 =	simm.s32 @!p2 $0x0  }
0x1d: {  	s5 =	simm.s32 @p1 $0x1;
	p0 =	seq.s32 s7, s2  }
0x1e: {  	s7 =	smul.u32 @!p0 $0xF7A, s2;
	p2 =	seq.s32 @!p0 s5, $0x0  }
0x1f: {  	s9 =	smul.u32 $0xF7A, s1;
	s8 =	simm.s32 @!p0 $0x1BF5;
	p2 =	por !p2, p0  }
0x20: {  	[sflag:s8] =	ssyncset.s32 @!p0 $0xFFFFF086;
	s6 =	sadd.s32 @!p0 s3, s7;
	s7 =	simm.s32 @!p0 $0x108  }
0x21: {  	s3 =	sadd.s32 s3, s9;
	s6 =	sadd.s32 @!p0 $0x88, s6;
	s7 =	simm.s32 @p2 $0x1082  }
0x22: {  	[simem:s7], [sflag:s8] =	dma.local @!p0 [hbm:s6], $0xF7A  }
0x23: {  	s9 =	sor.u32 $0xD0000000, s2;
	s6 =	simm.s32 $0x108;
	_ =	swait.ge @!p0 [sflag:s8], $0x0  }
0x24: {  	s3 =	sadd.s32 $0x88, s3;
	s6 =	simm.s32 @!p1 $0x1082;
	[sflag:s4] =	ssyncset.s32 $0xFFFFF086  }
0x25: {  	[simem:s6], [sflag:s4] =	dma.local [hbm:s3], $0xF7A  }
0x26: {  	[smem:$0x3F9C] =	sst s1;
	(tag) =	ssettag s2;
	_ =	strace s9  }
0x27: {  	s1 =	sld [smem:$0x3FAC]  }
0x28: {  	s2 =	sld [smem:$0x3FAD]  }
0x29: {  	s4 =	sld [smem:$0x3FAF]  }
0x2a: {  	p0 =	seq.s32 s5, $0x0;
	s5 =	sld [smem:$0x3FB0]  }
0x2b: {  	s6 =	sld [smem:$0x3FB1]  }
0x2c: {  	s7 =	sld [smem:$0x3FB2]  }
0x2d: {  	s3 =	simm.s32 $0x108;
	s8 =	sld [smem:$0x3FB3]  }
0x2e: {  	s3 =	simm.s32 @!p0 $0x1082;
	s9 =	sld [smem:$0x3FB4]  }
0x2f: {  	lr =	sadd.s32 s0, s3;
	s0 =	sld [smem:$0x3FAB]  }
0x30: {  	s3 =	sld [smem:$0x3FAE]  }
0x31: {  	[smem:$0x3FB7] =	sst s10  }
0x32: {  	s10 =	sld [smem:$0x3FB5];
	_ =	sdelay $0x3  }
0x33: {  	p0 =	seq.s32 s10, $0x1;
	s10 =	sld [smem:$0x3FB7];
	_ =	sdelay $0x3  }
0x34: {  	[smem:$0x3FB7] =	sst s10  }
0x35: {  	s10 =	sld [smem:$0x3FB6];
	_ =	sdelay $0x3  }
0x36: {  	p1 =	seq.s32 s10, $0x1;
	s10 =	sld [smem:$0x3FB7];
	_ =	sdelay $0x3  }
0x37: {  	[smem:$0x3FB7] =	sst s10  }
0x38: {  	s10 =	sld [smem:$0x3FB8]  }
0x39: {  	_ = 	snop;
	(pc) =	sbr.ind lr, $3  }
0x3a: {  	_ = 	snop  }
0x3b: {  	_ = 	snop  }
0x3c: {  	p2 =	seq.s32 s10, $0x1;
	s10 =	sld [smem:$0x3FB7]  }
0x3d: {  	_ =	shalt  }
0x3e: {  	_ =	shalt  }
0x3f: {  	_ =	shalt  }
0x40: {  	_ =	shalt  }
0x41: {  	_ =	shalt  }
0x42: {  	_ =	shalt  }
0x43: {  	_ =	shalt  }
0x44: {  	_ =	shalt  }
0x45: {  	_ =	shalt  }
0x46: {  	_ =	shalt  }
0x47: {  	_ =	shalt  }
0x48: {  	_ =	shalt  }
0x49: {  	_ =	shalt  }
0x4a: {  	_ =	shalt  }
0x4b: {  	_ =	shalt  }
0x4c: {  	_ =	shalt  }
0x4d: {  	_ =	shalt  }
0x4e: {  	_ =	shalt  }
0x4f: {  	_ =	shalt  }
0x50: {  	_ =	shalt  }
0x51: {  	_ =	shalt  }
0x52: {  	_ =	shalt  }
0x53: {  	_ =	shalt  }
0x54: {  	_ =	shalt  }
0x55: {  	_ =	shalt  }
0x56: {  	_ =	shalt  }
0x57: {  	_ =	shalt  }
0x58: {  	_ =	shalt  }
0x59: {  	_ =	shalt  }
0x5a: {  	_ =	shalt  }
0x5b: {  	_ =	shalt  }
0x5c: {  	_ =	shalt  }
0x5d: {  	_ =	shalt  }
0x5e: {  	_ =	shalt  }
0x5f: {  	_ =	shalt  }
0x60: {  	_ =	shalt  }
0x61: {  	_ =	shalt  }
0x62: {  	_ =	shalt  }
0x63: {  	_ =	shalt  }
0x64: {  	_ =	shalt  }
0x65: {  	_ =	shalt  }
0x66: {  	_ =	shalt  }
0x67: {  	_ =	shalt  }
0x68: {  	_ =	shalt  }
0x69: {  	_ =	shalt  }
0x6a: {  	_ =	shalt  }
0x6b: {  	_ =	shalt  }
0x6c: {  	_ =	shalt  }
0x6d: {  	_ =	shalt  }
0x6e: {  	_ =	shalt  }
0x6f: {  	_ =	shalt  }
0x70: {  	_ =	shalt  }
0x71: {  	_ =	shalt  }
0x72: {  	_ =	shalt  }
0x73: {  	_ =	shalt  }
0x74: {  	_ =	shalt  }
0x75: {  	_ =	shalt  }
0x76: {  	_ =	shalt  }
0x77: {  	_ =	shalt  }
0x78: {  	_ =	shalt  }
0x79: {  	_ =	shalt  }
0x7a: {  	_ =	shalt  }
0x7b: {  	_ =	shalt  }
0x7c: {  	_ =	shalt  }
0x7d: {  	_ =	shalt  }
0x7e: {  	_ =	shalt  }
0x7f: {  	_ =	shalt  }
0x80: {  	_ =	shalt  }
0x81: {  	_ =	shalt  }
0x82: {  	_ =	shalt  }
0x83: {  	_ =	shalt  }
0x84: {  	_ =	shalt  }
0x85: {  	_ =	shalt  }
0x86: {  	_ =	shalt  }
0x87: {  	_ =	shalt  }
.Lfunc_end0:
.L_simem_size_0:
called_computation_lowered:
.L_overlay_start_0:
0x88: {  	s2 =	sld [smem:$0x3FD9]  }
0x89: {  	s3 =	sld [smem:$0x3FFE];
	_ =	sdelay $0x1  }
0x8a: {  	s1 =	srdreg.scid  }
0x8b: {  	s0 =	sand.u32 $0x1, s1  }
0x8c: {  	s17 =	sshll.u32 s0, $0xA;
	s2 =	sadd.s32 s3, s2  }
0x8d: {  	s2 =	sadd.s32 s2, s17  }
0x8e: {  	[smem:$0x3FC3] =	sst s2  }
0x8f: {  	_ = 	snop  }
0x90: {  	s2 =	sld [smem:$0x3FC9]  }
0x91: {  	s18 =	sld [smem:$0x3FC8]  }
0x92: {  	s4 =	sld [smem:$0x3FC7]  }
0x93: {  	s5 =	sld [smem:$0x3FC6]  }
0x94: {  	s6 =	sld [smem:$0x3FC5];
	(tm) =	ssettm $0x1  }
0x95: {  	s7 =	sld [smem:$0x3FFB];
	_ =	sdelay $0x3  }
0x96: {  	_ =	strace s7  }
0x97: {  	s7 =	sld [smem:$0x3FFC];
	_ =	sdelay $0x3  }
0x98: {  	_ =	strace s7  }
0x99: {  	s7 =	sld [smem:$0x3FFD];
	_ =	sdelay $0x3  }
0x9a: {  	_ =	strace s7  }
0x9b: {  	_ =	strace $0x8FFFFFFF  }
0x9c: {  	s19 =	sld [smem:$0x3FDB];
	_ =	sdelay $0x1  }
0x9d: {  	s8 =	simm.s32 $_scs_section_size  }
0x9e: {  	s9 =	simm.s32 $_size__tile_overlayer_lowered;
	s10 =	simm.s32 $_tile_overlayer_lowered  }
0x9f: {  	s22 =	simm.s32 $0x1BFF;
	s21 =	sshll.u32 s10, $0x1;
	s7 =	sadd.s32 s8, s19  }
0xa0: {  	s11 =	simm.s32 $0x0;
	s20 =	sshll.u32 s9, $0x1;
	s9 =	sadd.s32 s21, s7  }
0xa1: {  	[timem:s11], [sflag:s22] =	dma.local [hbm:s9], s20  }
0xa2: {  	_ =	swait.ge [sflag:s22], s20  }
0xa3: {  	s8 =	ssub.s32 $0x0, s20;
	[sflag:s22] =	ssyncset.done $0x0  }
0xa4: {  	[sflag:s22] =	ssyncadd.s32 s8;
	_ =	sdelay $0x1  }
0xa5: {  	s23 =	simm.s32 $0x1B8B  }
0xa6: {  	_ =	swait.ge [sflag:s23], $0x1  }
0xa7: {  	[sflag:s23] =	ssyncset.done $0x0  }
0xa8: {  	s25 =	simm.s32 $0x1B8E;
	s24 =	sld [smem:$0x3FFE];
	[sflag:s23] =	ssyncadd.s32 $0xFFFFFFFF  }
0xa9: {  	s26 =	simm.s32 $execute0_lowered;
	[smem:$0x3FD2] =	sst s25  }
0xaa: {  	s9 =	sshll.u32 s26, $0x1;
	_ =	strace $0x80000046;
	[dreg:$0x1] =	wrdreg $0xFFFFFFFF  }
0xab: {  	s28 =	simm.s32 $_size_execute0_lowered;
	s7 =	sadd.s32 s7, s9;
	[dreg:$0x0] =	wrdreg $0x0  }
0xac: {  	s9 =	sshll.u32 s28, $0x1;
	[dreg:$0x2] =	wrdreg s7  }
0xad: {  	[dreg:$0x3] =	wrdreg s9  }
0xae: {  	[dreg:$0x4] =	wrdreg $0xC0  }
0xaf: {  	_ =	task [dreg:s11], $0x5FFFF  }
0xb0: {  	[dreg:$0x1] =	wrdreg $0xFFFFFFFF  }
0xb1: {  	[dreg:$0x0] =	wrdreg $0x60  }
0xb2: {  	[dreg:$0x2] =	wrdreg s2  }
0xb3: {  	[dreg:$0x3] =	wrdreg s18  }
0xb4: {  	[dreg:$0x4] =	wrdreg s4  }
0xb5: {  	[dreg:$0x5] =	wrdreg s5  }
0xb6: {  	[dreg:$0x6] =	wrdreg s6  }
0xb7: {  	[dreg:$0x7] =	wrdreg s24  }
0xb8: {  	[dreg:$0x8] =	wrdreg $0x9  }
0xb9: {  	_ =	task.clear_ibuf [dreg:s11], $0x9FFFF;
	_ =	strace $0x90000046  }
0xba: {  	s29 =	simm.s32 $0x9;
	_ =	strace $0x80000048  }
0xbb: {  	_ =	swait.ge [sflag:s29], $0x1  }
0xbc: {  	[sflag:s29] =	ssyncadd.s32 $0xFFFFFFFF  }
0xbd: {  	_ =	strace $0x90000048  }
0xbe: {  	_ =	sfence  }
0xbf: {  	s30 =	sld [smem:$0x0];
	_ =	sdelay $0x2  }
0xc0: {  	s31 =	sshll.u32 s1, $0xD;
	s1 =	sshrl.u32 s1, $0x2  }
0xc1: {  	s3 =	sand.u32 $0x4000, s31;
	s1 =	sadd.s32 s1, s30  }
0xc2: {  	s0 =	sor.u32 s3, s0;
	s1 =	sshll.u32 s1, $0x11  }
0xc3: {  	s0 =	sor.u32 s1, s0  }
0xc4: {  	s0 =	sadd.s32 $0x8F2B, s0  }
0xc5: {  	[sflag:s0] =	ssyncadd.remote.s32 $0x1  }
0xc6: {  	_ =	sfence.sel $0xFFFF  }
0xc7: {  	[dreg:$0x0] =	wrdreg $0xFFFFFFFF;
	(pc) =	sbr.abs _section_cstart, $3  }
0xc8: {  	[dreg:$0x1] =	wrdreg $0xFFFFFFFF  }
0xc9: {  	_ =	task.clear_ibuf [dreg:s11], $0x2FFFF;
	_ =	strace $0x9FFFFFFF  }
0xca: {  	(tm) =	ssettm $0x7FFFFFFF  }
0xcb: {  	_ =	shalt  }
tec
execute0_lowered:
.L_overlay_start_1:
0x0: {  	(tag) =	ssettag $0x1  }
0x1: {  	s0 =	rddreg [dreg:$0x0]  }
0x2: {  	s1 =	rddreg [dreg:$0x1]  }
0x3: {  	s10 =	rddreg [dreg:$0x2]  }
0x4: {  	s11 =	rddreg [dreg:$0x3]  }
0x5: {  	s12 =	rddreg [dreg:$0x4]  }
0x6: {  	s3 =	rddreg [dreg:$0x5]  }
0x7: {  	s2 =	srdreg.scid;
	s6 =	stileid.u32;
	s19 =	simm.s32 $0x1800  }
0x8: {  	s20 =	simm.s32 $0x4800;
	s21 =	simm.s32 $0x7800;
	s22 =	simm.s32 $0xA800  }
0x9: {  	s23 =	simm.s32 $0xD800;
	s24 =	simm.s32 $0x1;
	s25 =	simm.s32 $0x2  }
0xa: {  	s26 =	simm.s32 $0xF000;
	s28 =	simm.s32 $0x3;
	s4 =	sand.u32 $0x1, s2  }
0xb: {  	s29 =	simm.s32 $0x0;
	s2 =	simm.s32 $0x0;
	s5 =	sshll.u32 s4, $0x4  }
0xc: {  	[smem:$0x7FF] =	sst s2;
	s4 =	ssub.s32 $0x2, s4;
	s5 =	sor.u32 s6, s5  }
0xd: {  	_ =	strace $0x80000047;
	s8 =	sshrl.u32 s4, $0x1;
	s7 =	smul.u32 $0x600, s5  }
0xe: {  	s6 =	sshll.u32 s5, $0x7;
	s9 =	smul.u32 $0x3000, s5;
	s14 =	ssub.s32 s4, s8  }
0xf: {  	s13 =	sadd.s32 s6, s3;
	s14 =	smax.u32 s14, $0x1;
	s3 =	sadd.s32 s0, s7  }
0x10: {  	s4 =	sadd.s32 s1, s7;
	s5 =	sadd.s32 s10, s7;
	s31 =	sshrl.u32 s9, $0x3  }
0x11: {  	s6 =	sadd.s32 s11, s7;
	s7 =	sadd.s32 s12, s7;
	s15 =	sadd.s32 $0x300, s31  }
0x12: {  	s13 =	sadd.s32 $0x1E00, s13;
	s8 =	sadd.s32 s0, s15;
	s9 =	sadd.s32 s1, s15  }
0x13: {  	v0 =	vimm.f32 $0.0e+00;
	s10 =	sadd.s32 s10, s15;
	s11 =	sadd.s32 s11, s15;
	s12 =	sadd.s32 s12, s15  }
.LBB2_1:
0x14: {  	[tilespmem:s2], [sflag:$0x1] =	stream.linear.gather [hbm4b:s3+s2], $0x1800, $0x38;
	[tilespmem:$0xF400] =	vst v63  }
0x15: {  	s0 =	simm.s32 $0x3000  }
0x16: {  	[tilespmem:s0], [sflag:$0x1] =	stream.linear.gather [hbm4b:s4+s2], $0x1800, $0x38;
	[tilespmem:$0xF400] =	vst v63  }
0x17: {  	s17 =	simm.s32 $0x6000  }
0x18: {  	[tilespmem:s17], [sflag:$0x1] =	stream.linear.gather [hbm4b:s5+s2], $0x1800, $0x38;
	[tilespmem:$0xF400] =	vst v63  }
0x19: {  	s18 =	simm.s32 $0x9000  }
0x1a: {  	[tilespmem:s18], [sflag:$0x1] =	stream.linear.gather [hbm4b:s6+s2], $0x1800, $0x38;
	[tilespmem:$0xF400] =	vst v63  }
0x1b: {  	s31 =	simm.s32 $0xC000  }
0x1c: {  	[tilespmem:s31], [sflag:$0x1] =	stream.linear.gather [hbm4b:s7+s2], $0x1800, $0x38;
	[tilespmem:$0xF400] =	vst v63  }
0x1d: {  	_ = 	snop  }
0x1e: {  	[tilespmem:s19], [sflag:$0x2] =	stream.linear.gather [hbm4b:s8+s2], $0x1800, $0x38;
	[tilespmem:$0xF400] =	vst v63  }
0x1f: {  	_ = 	snop  }
0x20: {  	[tilespmem:s20], [sflag:$0x2] =	stream.linear.gather [hbm4b:s9+s2], $0x1800, $0x38;
	[tilespmem:$0xF400] =	vst v63  }
0x21: {  	_ = 	snop  }
0x22: {  	[tilespmem:s21], [sflag:$0x2] =	stream.linear.gather [hbm4b:s10+s2], $0x1800, $0x38;
	[tilespmem:$0xF400] =	vst v63  }
0x23: {  	_ = 	snop  }
0x24: {  	[tilespmem:s22], [sflag:$0x2] =	stream.linear.gather [hbm4b:s11+s2], $0x1800, $0x38;
	[tilespmem:$0xF400] =	vst v63  }
0x25: {  	_ = 	snop  }
0x26: {  	[tilespmem:s23], [sflag:$0x2] =	stream.linear.gather [hbm4b:s12+s2], $0x1800, $0x38;
	[tilespmem:$0xF400] =	vst v63  }
0x27: {  	_ =	swait.ge [sflag:s24], $0x1800  }
0x28: {  	[sflag:s24] =	ssyncset.done $0x0  }
0x29: {  	[sflag:s24] =	ssyncadd.s32 $0xFFFFE800  }
0x2a: {  	_ =	swait.ge [sflag:s24], $0x1800  }
0x2b: {  	[sflag:s24] =	ssyncset.done $0x0  }
0x2c: {  	[sflag:s24] =	ssyncadd.s32 $0xFFFFE800  }
0x2d: {  	_ =	swait.ge [sflag:s24], $0x1800  }
0x2e: {  	[sflag:s24] =	ssyncset.done $0x0  }
0x2f: {  	[sflag:s24] =	ssyncadd.s32 $0xFFFFE800  }
0x30: {  	_ =	swait.ge [sflag:s24], $0x1800  }
0x31: {  	[sflag:s24] =	ssyncset.done $0x0  }
0x32: {  	[sflag:s24] =	ssyncadd.s32 $0xFFFFE800  }
0x33: {  	_ =	swait.ge [sflag:s24], $0x1800  }
0x34: {  	v1 =	vimm.f32 $0.0e+00;
	v5 =	vimm.f32 $0.0e+00;
	v2 =	vimm.f32 $0.0e+00;
	[sflag:s24] =	ssyncset.done $0x0  }
0x35: {  	v6 =	vimm.f32 $0.0e+00;
	v3 =	vimm.f32 $0.0e+00;
	v4 =	vimm.f32 $0.0e+00;
	s30 =	simm.s32 $0x0;
	[sflag:s24] =	ssyncadd.s32 $0xFFFFE800  }
.LBB2_2:
0x36: {  	s0 =	sshrl.u32 s30, $0x3  }
0x37: {  	s1 =	sshll.u32 s30, $0x7;
	s0 =	smul.u32 $0xC00, s0  }
0x38: {  	s15 =	simm.s32 $0x0;
	s1 =	sand.u32 $0x380, s1  }
0x39: {  	s17 =	sand.u32 $0xC00, s15;
	s31 =	sor.u32 s1, s0  }
0x3a: {  	s18 =	sand.u32 $0x70, s15;
	s0 =	sadd.s32 s31, s17  }
0x3b: {  	s0 =	sor.u32 s18, s0  }
0x3c: {  	v10 =	vld [tilespmem:s0+$0x6000]  }
0x3d: {  	s15 =	simm.s32 $0x80;
	v8 =	vld [tilespmem:s0+$0x9000]  }
0x3e: {  	s16 =	simm.s32 $0x10;
	s1 =	sand.u32 $0xC00, s15;
	v9 =	vld [tilespmem:s0+$0x0]  }
0x3f: {  	s15 =	sand.u32 $0x70, s16;
	s1 =	sadd.s32 s31, s1;
	v11 =	vld [tilespmem:s0+$0x3000]  }
0x40: {  	s1 =	sor.u32 s15, s1;
	v12 =	vld [tilespmem:s0+$0xC000]  }
0x41: {  	v7 =	vld [tilespmem:s1+$0x6000]  }
0x42: {  	v13 =	vld [tilespmem:s1+$0x9000]  }
0x43: {  	s17 =	simm.s32 $0x100;
	v15 =	vld [tilespmem:s1+$0x0];
	v8 =	vsub.f32 v10, v8  }
0x44: {  	s18 =	simm.s32 $0x20;
	s0 =	sand.u32 $0xC00, s17;
	v16 =	vld [tilespmem:s1+$0x3000];
	v11 =	vsub.f32 v9, v11  }
0x45: {  	s15 =	sand.u32 $0x70, s18;
	s0 =	sadd.s32 s31, s0;
	vm0 =	vgt.f32 v9, $6.999999880e-01;
	v8 =	vmul.f32 v8, v8  }
0x46: {  	s0 =	sor.u32 s15, s0;
	vm2 =	vgt.f32 v10, $6.999999880e-01;
	v14 =	vsel vm0, $0x3F800000, v0;
	v11 =	vmul.f32 v11, v11  }
0x47: {  	v17 =	vsub.f32 v7, v13;
	v10 =	vadd.f32 v14, v6;
	v6 =	vld [tilespmem:s0+$0x6000];
	v9 =	vmul.f32 v8, v12  }
0x48: {  	vm1 =	vmmov vm0;
	vm0 =	vgt.f32 v15, $6.999999880e-01;
	v8 =	vld [tilespmem:s1+$0xC000];
	v14 =	vmul.f32 v12, v11  }
0x49: {  	v13 =	vsel vm2, $0x3F800000, v0;
	v15 =	vsub.f32 v15, v16;
	v12 =	vld [tilespmem:s0+$0x9000];
	v11 =	vnsel vm2, $0x0, v9  }
0x4a: {  	s15 =	simm.s32 $0x180;
	v16 =	vmul.f32 v17, v17;
	s1 =	simm.s32 $0x30;
	v17 =	vnsel vm1, $0x0, v14;
	v5 =	vadd.f32 v11, v5;
	v11 =	vld [tilespmem:s0+$0x0]  }
.LBB2_3:
0x4b: {  	v19 =	vsel vm0, $0x3F800000, v0  }
0x4c: {  	s16 =	sand.u32 $0x70, s1;
	s17 =	sand.u32 $0xC00, s15;
	v18 =	vld [tilespmem:s0+$0x3000];
	v4 =	vadd.f32 v14, v4;
	v3 =	vadd.f32 v17, v3;
	vm1 =	vmmov vm0;
	p0 =	sne.s32 s1, $0x170  }
.Ltmp0:
0x4d: {  	s1 =	sadd.s32 $0x10, s1;
	v2 =	vadd.f32 v9, v2;
	s17 =	sadd.s32 s31, s17;
	v14 =	vmul.f32 v15, v15;
	v9 =	vmul.f32 v16, v8;
	(pc) =	sbr.rel @p0 .LBB2_3-.Ltmp0, $4  }
0x4e: {  	vm2 =	vgt.f32 v7, $6.999999880e-01;
	v1 =	vadd.f32 v13, v1;
	v10 =	vadd.f32 v19, v10;
	v13 =	vmovc v8;
	v8 =	vld [tilespmem:s0+$0xC000];
	s0 =	sor.u32 s16, s17;
	v7 =	vmovc v6  }
0x4f: {  	v6 =	vld [tilespmem:s0+$0x6000];
	v16 =	vsub.f32 v7, v12;
	v14 =	vmul.f32 v13, v14;
	v13 =	vnsel vm2, $0x0, v9  }
0x50: {  	v12 =	vld [tilespmem:s0+$0x9000];
	vm0 =	vgt.f32 v11, $6.999999880e-01;
	v5 =	vadd.f32 v13, v5;
	v13 =	vsel vm2, $0x3F800000, v0  }
0x51: {  	s15 =	sadd.s32 $0x80, s15;
	v15 =	vsub.f32 v11, v18;
	v11 =	vld [tilespmem:s0+$0x0];
	v16 =	vmul.f32 v16, v16;
	v17 =	vnsel vm1, $0x0, v14  }
0x52: {  	v18 =	vld [tilespmem:s0+$0x3000];
	v19 =	vsel vm0, $0x3F800000, v0;
	v4 =	vadd.f32 v14, v4;
	v3 =	vadd.f32 v17, v3  }
0x53: {  	vm13 =	vmmov vm0;
	v2 =	vadd.f32 v9, v2;
	vm1 =	vgt.f32 v7, $6.999999880e-01  }
0x54: {  	v1 =	vadd.f32 v13, v1;
	v54 =	vmul.f32 v15, v15;
	v55 =	vmul.f32 v16, v8  }
0x55: {  	v56 =	vld [tilespmem:s0+$0xC000];
	v7 =	vadd.f32 v19, v10;
	v60 =	vsel vm1, $0x3F800000, v0;
	vm15 =	vgt.f32 v6, $6.999999880e-01  }
0x56: {  	v1 =	vadd.f32 v60, v1;
	v57 =	vsub.f32 v6, v12;
	v8 =	vmul.f32 v8, v54  }
0x57: {  	v58 =	vnsel vm1, $0x0, v55;
	v2 =	vadd.f32 v55, v2;
	v59 =	vsub.f32 v11, v18  }
0x58: {  	s30 =	sadd.s32 $0x1, s30;
	v63 =	vsel vm15, $0x3F800000, v0;
	vm2 =	vgt.f32 v11, $6.999999880e-01;
	v10 =	vmul.f32 v57, v57  }
0x59: {  	p0 =	sne.s32 s30, $0x10;
	v5 =	vadd.f32 v58, v5;
	v1 =	vadd.f32 v63, v1;
	v11 =	vmul.f32 v59, v59  }
.Ltmp1:
0x5a: {  	v61 =	vnsel vm13, $0x0, v8;
	v4 =	vadd.f32 v8, v4;
	v8 =	vmul.f32 v10, v56;
	(pc) =	sbr.rel @p0 .LBB2_2-.Ltmp1, $4  }
0x5b: {  	v62 =	vsel vm2, $0x3F800000, v0;
	vm14 =	vmmov vm2;
	v9 =	vmul.f32 v56, v11  }
0x5c: {  	v3 =	vadd.f32 v61, v3;
	v6 =	vadd.f32 v62, v7;
	v7 =	vnsel vm15, $0x0, v8  }
0x5d: {  	v2 =	vadd.f32 v8, v2;
	v5 =	vadd.f32 v7, v5;
	v7 =	vnsel vm14, $0x0, v9  }
0x5e: {  	v4 =	vadd.f32 v9, v4;
	v3 =	vadd.f32 v7, v3  }
0x5f: {  	_ =	swait.ge [sflag:s25], $0x1800  }
0x60: {  	[sflag:s25] =	ssyncset.done $0x0  }
0x61: {  	[sflag:s25] =	ssyncadd.s32 $0xFFFFE800  }
0x62: {  	_ =	swait.ge [sflag:s25], $0x1800  }
0x63: {  	[sflag:s25] =	ssyncset.done $0x0  }
0x64: {  	[sflag:s25] =	ssyncadd.s32 $0xFFFFE800  }
0x65: {  	_ =	swait.ge [sflag:s25], $0x1800  }
0x66: {  	[sflag:s25] =	ssyncset.done $0x0  }
0x67: {  	[sflag:s25] =	ssyncadd.s32 $0xFFFFE800  }
0x68: {  	_ =	swait.ge [sflag:s25], $0x1800  }
0x69: {  	[sflag:s25] =	ssyncset.done $0x0  }
0x6a: {  	[sflag:s25] =	ssyncadd.s32 $0xFFFFE800  }
0x6b: {  	_ =	swait.ge [sflag:s25], $0x1800  }
0x6c: {  	[sflag:s25] =	ssyncset.done $0x0  }
0x6d: {  	s30 =	simm.s32 $0x0;
	s31 =	simm.s32 $0x0;
	[sflag:s25] =	ssyncadd.s32 $0xFFFFE800  }
.LBB2_6:
0x6e: {  	s0 =	sshrl.u32 s31, $0x3  }
0x6f: {  	s1 =	sshll.u32 s31, $0x7;
	s0 =	smul.u32 $0xC00, s0  }
0x70: {  	s1 =	sand.u32 $0x380, s1  }
0x71: {  	s0 =	sor.u32 s1, s0  }
0x72: {  	s17 =	sand.u32 $0xC00, s30;
	s0 =	sadd.s32 $0x1800, s0  }
0x73: {  	s15 =	sand.u32 $0x70, s30;
	s1 =	sadd.s32 s17, s0  }
0x74: {  	s1 =	sor.u32 s15, s1  }
0x75: {  	v10 =	vld [tilespmem:s1+$0x6000]  }
0x76: {  	s18 =	simm.s32 $0x80;
	v8 =	vld [tilespmem:s1+$0x9000]  }
0x77: {  	s16 =	simm.s32 $0x10;
	s15 =	sand.u32 $0xC00, s18;
	v9 =	vld [tilespmem:s1+$0x0]  }
0x78: {  	s16 =	sand.u32 $0x70, s16;
	v11 =	vld [tilespmem:s1+$0x3000];
	s15 =	sadd.s32 s15, s0  }
0x79: {  	v12 =	vld [tilespmem:s1+$0xC000];
	s15 =	sor.u32 s16, s15  }
0x7a: {  	v7 =	vld [tilespmem:s15+$0x6000]  }
0x7b: {  	v13 =	vld [tilespmem:s15+$0x9000]  }
0x7c: {  	s17 =	simm.s32 $0x100;
	v15 =	vld [tilespmem:s15+$0x0];
	v8 =	vsub.f32 v10, v8  }
0x7d: {  	s18 =	simm.s32 $0x20;
	s1 =	sand.u32 $0xC00, s17;
	v16 =	vld [tilespmem:s15+$0x3000];
	v11 =	vsub.f32 v9, v11  }
0x7e: {  	s16 =	sand.u32 $0x70, s18;
	s1 =	sadd.s32 s1, s0;
	vm0 =	vgt.f32 v9, $6.999999880e-01;
	v8 =	vmul.f32 v8, v8  }
0x7f: {  	s1 =	sor.u32 s16, s1;
	vm2 =	vgt.f32 v10, $6.999999880e-01;
	v14 =	vsel vm0, $0x3F800000, v0;
	v11 =	vmul.f32 v11, v11  }
0x80: {  	vm1 =	vmmov vm0;
	v10 =	vadd.f32 v14, v6;
	v6 =	vld [tilespmem:s1+$0x6000];
	v9 =	vmul.f32 v8, v12  }
0x81: {  	v17 =	vsub.f32 v7, v13;
	vm0 =	vgt.f32 v15, $6.999999880e-01;
	v8 =	vld [tilespmem:s15+$0xC000];
	v14 =	vmul.f32 v12, v11  }
0x82: {  	v13 =	vsel vm2, $0x3F800000, v0;
	v15 =	vsub.f32 v15, v16;
	v12 =	vld [tilespmem:s1+$0x9000];
	v11 =	vnsel vm2, $0x0, v9  }
0x83: {  	s16 =	simm.s32 $0x180;
	s15 =	simm.s32 $0x30;
	v16 =	vmul.f32 v17, v17;
	v17 =	vnsel vm1, $0x0, v14;
	v5 =	vadd.f32 v11, v5;
	v11 =	vld [tilespmem:s1+$0x0]  }
.LBB2_7:
0x84: {  	v19 =	vsel vm0, $0x3F800000, v0  }
0x85: {  	s17 =	sand.u32 $0x70, s15;
	s18 =	sand.u32 $0xC00, s16;
	v18 =	vld [tilespmem:s1+$0x3000];
	v4 =	vadd.f32 v14, v4;
	v3 =	vadd.f32 v17, v3;
	vm1 =	vmmov vm0;
	p0 =	sne.s32 s15, $0x170  }
.Ltmp2:
0x86: {  	s15 =	sadd.s32 $0x10, s15;
	v2 =	vadd.f32 v9, v2;
	s18 =	sadd.s32 s18, s0;
	v14 =	vmul.f32 v15, v15;
	v9 =	vmul.f32 v16, v8;
	(pc) =	sbr.rel @p0 .LBB2_7-.Ltmp2, $4  }
0x87: {  	vm2 =	vgt.f32 v7, $6.999999880e-01;
	v1 =	vadd.f32 v13, v1;
	v10 =	vadd.f32 v19, v10;
	v13 =	vmovc v8;
	v8 =	vld [tilespmem:s1+$0xC000];
	s1 =	sor.u32 s17, s18;
	v7 =	vmovc v6  }
0x88: {  	v6 =	vld [tilespmem:s1+$0x6000];
	v16 =	vsub.f32 v7, v12;
	v14 =	vmul.f32 v13, v14;
	v13 =	vnsel vm2, $0x0, v9  }
0x89: {  	v12 =	vld [tilespmem:s1+$0x9000];
	vm0 =	vgt.f32 v11, $6.999999880e-01;
	v5 =	vadd.f32 v13, v5;
	v13 =	vsel vm2, $0x3F800000, v0  }
0x8a: {  	s16 =	sadd.s32 $0x80, s16;
	v15 =	vsub.f32 v11, v18;
	v11 =	vld [tilespmem:s1+$0x0];
	v16 =	vmul.f32 v16, v16;
	v17 =	vnsel vm1, $0x0, v14  }
0x8b: {  	v18 =	vld [tilespmem:s1+$0x3000];
	v19 =	vsel vm0, $0x3F800000, v0;
	v4 =	vadd.f32 v14, v4;
	v3 =	vadd.f32 v17, v3  }
0x8c: {  	vm13 =	vmmov vm0;
	v2 =	vadd.f32 v9, v2;
	vm1 =	vgt.f32 v7, $6.999999880e-01  }
0x8d: {  	v1 =	vadd.f32 v13, v1;
	v54 =	vmul.f32 v15, v15;
	v55 =	vmul.f32 v16, v8  }
0x8e: {  	v56 =	vld [tilespmem:s1+$0xC000];
	v7 =	vadd.f32 v19, v10;
	v60 =	vsel vm1, $0x3F800000, v0;
	vm15 =	vgt.f32 v6, $6.999999880e-01  }
0x8f: {  	v1 =	vadd.f32 v60, v1;
	v57 =	vsub.f32 v6, v12;
	v8 =	vmul.f32 v8, v54  }
0x90: {  	v58 =	vnsel vm1, $0x0, v55;
	v2 =	vadd.f32 v55, v2;
	v59 =	vsub.f32 v11, v18  }
0x91: {  	s31 =	sadd.s32 $0x1, s31;
	v63 =	vsel vm15, $0x3F800000, v0;
	vm2 =	vgt.f32 v11, $6.999999880e-01;
	v10 =	vmul.f32 v57, v57  }
0x92: {  	p0 =	sne.s32 s31, $0x10;
	v5 =	vadd.f32 v58, v5;
	v1 =	vadd.f32 v63, v1;
	v11 =	vmul.f32 v59, v59  }
.Ltmp3:
0x93: {  	v61 =	vnsel vm13, $0x0, v8;
	v4 =	vadd.f32 v8, v4;
	v8 =	vmul.f32 v10, v56;
	(pc) =	sbr.rel @p0 .LBB2_6-.Ltmp3, $4  }
0x94: {  	v62 =	vsel vm2, $0x3F800000, v0;
	vm14 =	vmmov vm2;
	v9 =	vmul.f32 v56, v11  }
0x95: {  	v3 =	vadd.f32 v61, v3;
	v6 =	vadd.f32 v62, v7;
	v7 =	vnsel vm15, $0x0, v8  }
0x96: {  	v2 =	vadd.f32 v8, v2;
	v5 =	vadd.f32 v7, v5;
	v7 =	vnsel vm14, $0x0, v9  }
0x97: {  	v4 =	vadd.f32 v9, v4;
	v3 =	vadd.f32 v7, v3  }
0x98: {  	[tilespmem:$0xF100] =	vst v6  }
0x99: {  	[tilespmem:$0xF180] =	vst v2  }
0x9a: {  	[tilespmem:$0xF200] =	vst v5  }
0x9b: {  	[tilespmem:$0xF280] =	vst v1;
	s29 =	sadd.s32 $0x1, s29  }
0x9c: {  	[tilespmem:$0xF000] =	vst v4;
	p0 =	sne.s32 s29, s14  }
.Ltmp4:
0x9d: {  	[tilespmem:$0xF080] =	vst v3;
	(pc) =	sbr.rel @p0 .LBB2_1-.Ltmp4, $4  }
0x9e: {  	[hbm4b:s13+s2] =	stream.linear.scatter [tilespmem:s26], [sflag:$0x3], $0x300, $0x38;
	[tilespmem:$0xF400] =	vst v63  }
0x9f: {  	_ =	swait.ge [sflag:s28], $0x300  }
0xa0: {  	[sflag:s28] =	ssyncset.done $0x0  }
0xa1: {  	[sflag:s28] =	ssyncadd.s32 $0xFFFFFD00  }
0xa2: {  	_ =	sfence.sel $0x180000  }
0xa3: {  	[bflag:$0x0] =	sbarrier.arrive $0xFFFF  }
0xa4: {  	_ =	strace $0x90000047  }
0xa5: {  	s0 =	stileid.u32;
	[bflag:$0x2] =	sbarrier.arrive $0xFFFF  }
0xa6: {  	p0 =	sne.s32 s0, $0x0;
	s0 =	rddreg [dreg:$0x6]  }
0xa7: {  	s0 =	sadd.s32 @!p0 $0x100000, s0  }
0xa8: {  	[sflag:s0] =	ssyncadd.tile.s32 @!p0 $0x1;
	_ =	shalt  }
.Lfunc_end2:
_tile_overlayer_lowered:
.L_overlay_start_2:
0xa9: {  	(tag) =	ssettag $0x2  }
0xaa: {  	s0 =	rddreg [dreg:$0x0];
	s2 =	stileid.u32  }
0xab: {  	s1 =	rddreg [dreg:$0x1];
	p0 =	sne.s32 s2, $0x0  }
0xac: {  	s3 =	rddreg [dreg:$0x2];
	[bflag:$0x3] =	sbarrier.arrive $0xFFFF;
	s2 =	simm.s32 @!p0 $0x1C03  }
0xad: {  	[timem:s3], [sflag:s2] =	dma.local @!p0 [hbm:s0], s1  }
0xae: {  	s0 =	simm.s32 @!p0 $0x3  }
0xaf: {  	_ =	swait.ge @!p0 [sflag:s0], s1  }
0xb0: {  	s1 =	ssub.s32 @!p0 $0x0, s1;
	[sflag:s0] =	ssyncset.done @!p0 $0x0  }
0xb1: {  	[sflag:s0] =	ssyncadd.s32 @!p0 s1  }
0xb2: {  	[bflag:$0x3] =	sbarrier.arrive $0xFFFF  }
0xb3: {  	_ =	shalt  }

</sc_bundles>
